<compile_context>
chip_gen: v7x
topology: tpu7x:2x2x1
jax: 0.10.2.dev20260603
libtpu: 0.0.44.dev20260713+nightly
codegen_flags: <defaults>
</compile_context>

<pallas_src>
import functools

import jax
import jax.numpy as jnp
import numpy as np
from jax import lax
from jax.experimental import pallas as pl
from jax.experimental.pallas import tpu as pltpu
from jax.experimental.pallas import tpu_sc as plsc

_NH, _NL, _NPT, _D = 8, 4, 4, 256
_DH = _D // _NH
_SHAPES = [(96, 96), (48, 48), (24, 24), (12, 12)]
_B = 2
_V = sum(h * w for h, w in _SHAPES)
_Q = _V
_NC = 128

_QB = 240
_NQB = _Q // _QB

_NW = 32
_QPW = _Q // 16
_NQ = 5
_NBLK = _QPW // _NQ
_NROW = _NQ * 4 * _NC
_NGATH = _NROW // 128

_CB = 2040
_NCB = _B * _Q // _CB

_cols = np.arange(_NC)
_lvl = (_cols // 4) % _NL
_scol_np = np.array([s[0] for s in _SHAPES], np.float32)[_lvl]
_start_np = np.array([0, 9216, 11520, 12096], np.int32)[_lvl]
_hcol_np = (_cols // 16).astype(np.int32)
_Ex_np = np.zeros((8, _NC), np.float32)
_Ey_np = np.zeros((8, _NC), np.float32)
for _c in range(_NC):
    _Ex_np[2 * _lvl[_c], _c] = 1.0
    _Ey_np[2 * _lvl[_c] + 1, _c] = 1.0
_S_np = (np.arange(_NC)[:, None] // 16 == np.arange(_NC)[None, :] // 16).astype(np.float32)


def _stage_a(q_ref, val_ref, ref8_ref, wsox_ref, wsoy_ref, bsox_ref, bsoy_ref,
             waw_ref, baw_ref, wv_ref, bv_ref, ex_ref, ey_ref, scol_ref,
             scoli_ref, start_ref, hcol_ref, sdiag_ref,
             idx_ref, w_ref, vout_ref):
    b = pl.program_id(0)
    q = q_ref[0]
    f32 = jnp.float32
    sox = jnp.dot(q, wsox_ref[...], preferred_element_type=f32, precision=jax.lax.Precision.HIGHEST) + bsox_ref[...]
    soy = jnp.dot(q, wsoy_ref[...], preferred_element_type=f32, precision=jax.lax.Precision.HIGHEST) + bsoy_ref[...]
    logits = jnp.dot(q, waw_ref[...], preferred_element_type=f32, precision=jax.lax.Precision.HIGHEST) + baw_ref[...]
    e = jnp.exp(logits)
    denom = jnp.dot(e, sdiag_ref[...], preferred_element_type=f32, precision=jax.lax.Precision.HIGHEST)
    aw = e / denom
    ref8 = ref8_ref[0]
    refx = jnp.dot(ref8, ex_ref[...], preferred_element_type=f32, precision=jax.lax.Precision.HIGHEST)
    refy = jnp.dot(ref8, ey_ref[...], preferred_element_type=f32, precision=jax.lax.Precision.HIGHEST)
    scol = scol_ref[...]
    gridx = 2.0 * (refx + sox / scol) - 1.0
    gridy = 2.0 * (refy + soy / scol) - 1.0
    gx = (gridx + 1.0) * scol / 2.0 - 0.5
    gy = (gridy + 1.0) * scol / 2.0 - 0.5
    x0 = jnp.floor(gx)
    y0 = jnp.floor(gy)
    fx = gx - x0
    fy = gy - y0
    smax = scol - 1.0
    scoli = scoli_ref[...]
    starti = start_ref[...]
    hcol = hcol_ref[...]
    base = b * _V

    def corner(xf, yf, wgt):
        ok = (xf >= 0.0) & (xf <= smax) & (yf >= 0.0) & (yf <= smax)
        xc = jnp.clip(xf, 0.0, smax).astype(jnp.int32)
        yc = jnp.clip(yf, 0.0, smax).astype(jnp.int32)
        row = (yc * scoli + xc + starti + base) * _NH + hcol
        return row, aw * wgt * ok.astype(f32)

    r00, w00 = corner(x0, y0, (1.0 - fx) * (1.0 - fy))
    r10, w10 = corner(x0 + 1.0, y0, fx * (1.0 - fy))
    r01, w01 = corner(x0, y0 + 1.0, (1.0 - fx) * fy)
    r11, w11 = corner(x0 + 1.0, y0 + 1.0, fx * fy)
    idx_ref[0, 0] = r00
    idx_ref[0, 1] = r10
    idx_ref[0, 2] = r01
    idx_ref[0, 3] = r11
    w_ref[0, 0] = w00
    w_ref[0, 1] = w10
    w_ref[0, 2] = w01
    w_ref[0, 3] = w11
    vout_ref[0] = jnp.dot(val_ref[0], wv_ref[...], preferred_element_type=f32, precision=jax.lax.Precision.HIGHEST) + bv_ref[...]


def _stage_c(s_ref, wo_ref, bo_ref, o_ref):
    o_ref[...] = jnp.dot(s_ref[...], wo_ref[...],
                         preferred_element_type=jnp.float32,
                         precision=jax.lax.Precision.HIGHEST) + bo_ref[...]


def _sc_sample(table, idx, wgt):
    mesh = plsc.VectorSubcoreMesh(core_axis_name="c", subcore_axis_name="s")

    @functools.partial(
        pl.kernel,
        out_type=jax.ShapeDtypeStruct((_B * _Q * _D,), jnp.float32),
        mesh=mesh,
        scratch_types=[
            pltpu.VMEM((_NROW,), jnp.int32),
            pltpu.VMEM((_NROW,), jnp.float32),
            pltpu.VMEM((_NROW, _DH), jnp.float32),
            pltpu.VMEM((_NQ * _D,), jnp.float32),
            pltpu.SemaphoreType.DMA,
        ],
        compiler_params=pltpu.CompilerParams(needs_layout_passes=False,
                                             use_tc_tiling_on_sc=False),
    )
    def run(table_h, idx_h, w_h, out_h, idx_v, w_v, rows_v, out_v, sem):
        cid = lax.axis_index("c")
        sid = lax.axis_index("s")
        iota = lax.broadcasted_iota(jnp.int32, (16,), 0)
        nseg = _NQ * _NC

        def blk_body(blk, carry):
            qb = sid * _QPW + blk * _NQ
            src0 = (cid * 4 * _Q + qb) * _NC
            for cnr in range(4):
                pltpu.sync_copy(idx_h.at[pl.ds(src0 + cnr * _Q * _NC, nseg)],
                                idx_v.at[pl.ds(cnr * nseg, nseg)])
                pltpu.sync_copy(w_h.at[pl.ds(src0 + cnr * _Q * _NC, nseg)],
                                w_v.at[pl.ds(cnr * nseg, nseg)])
            descs = [
                pltpu.async_copy(table_h.at[idx_v.at[pl.ds(j * 128, 128)]],
                                 rows_v.at[pl.ds(j * 128, 128), :], sem)
                for j in range(_NGATH)
            ]
            for d in descs:
                d.wait()

            def qh_body(qh, c2):
                qq = qh // 8
                h = qh % 8

                def e_body(k, acc):
                    a0, a1 = acc
                    cnr = k // 16
                    j = k % 16
                    rr = (cnr * _NQ + qq) * _NC + h * 16 + j
                    ws = plsc.load_gather(w_v, [jnp.full((16,), rr, jnp.int32)])
                    rfull = jnp.full((16,), rr, jnp.int32)
                    lo = plsc.load_gather(rows_v, [rfull, iota])
                    hi = plsc.load_gather(rows_v, [rfull, iota + 16])
                    return (a0 + ws * lo, a1 + ws * hi)

                z = jnp.zeros((16,), jnp.float32)
                a0, a1 = lax.fori_loop(0, 64, e_body, (z, z))
                obase = qq * _D + h * 32
                plsc.store_scatter(out_v, [obase + iota], a0)
                plsc.store_scatter(out_v, [obase + 16 + iota], a1)
                return c2

            lax.fori_loop(0, _NQ * 8, qh_body, 0)
            pltpu.sync_copy(out_v, out_h.at[pl.ds((cid * _Q + qb) * _D, _NQ * _D)])
            return carry

        lax.fori_loop(0, _NBLK, blk_body, 0)

    return run(table, idx.reshape(-1), wgt.reshape(-1))


def _stage_a_call(query, value, reference_points, W_so, b_so, W_aw, b_aw,
                  W_v, b_v):
    f32 = jnp.float32
    W_sox = W_so.reshape(_D, _NH, _NL, _NPT, 2)[..., 0].reshape(_D, _NC)
    W_soy = W_so.reshape(_D, _NH, _NL, _NPT, 2)[..., 1].reshape(_D, _NC)
    b_sox = b_so.reshape(_NH, _NL, _NPT, 2)[..., 0].reshape(1, _NC)
    b_soy = b_so.reshape(_NH, _NL, _NPT, 2)[..., 1].reshape(1, _NC)
    baw2 = b_aw.reshape(1, _NC)
    bv2 = b_v.reshape(1, _D)
    ref8 = reference_points.reshape(_B, _Q, _NL * 2)
    scolf = jnp.asarray(_scol_np.reshape(1, _NC))
    scoli = jnp.asarray(_scol_np.astype(np.int32).reshape(1, _NC))
    starti = jnp.asarray(_start_np.reshape(1, _NC))
    hcoli = jnp.asarray(_hcol_np.reshape(1, _NC))
    Ex = jnp.asarray(_Ex_np)
    Ey = jnp.asarray(_Ey_np)
    Sd = jnp.asarray(_S_np)

    full = lambda shp: pl.BlockSpec(shp, lambda b, i: tuple(0 for _ in shp))
    idx, wgt, vproj = pl.pallas_call(
        _stage_a,
        grid=(_B, _NQB),
        in_specs=[
            pl.BlockSpec((1, _QB, _D), lambda b, i: (b, i, 0)),
            pl.BlockSpec((1, _QB, _D), lambda b, i: (b, i, 0)),
            pl.BlockSpec((1, _QB, 8), lambda b, i: (b, i, 0)),
            full((_D, _NC)), full((_D, _NC)), full((1, _NC)), full((1, _NC)),
            full((_D, _NC)), full((1, _NC)), full((_D, _D)), full((1, _D)),
            full((8, _NC)), full((8, _NC)), full((1, _NC)), full((1, _NC)),
            full((1, _NC)), full((1, _NC)), full((_NC, _NC)),
        ],
        out_specs=[
            pl.BlockSpec((1, 4, _QB, _NC), lambda b, i: (b, 0, i, 0)),
            pl.BlockSpec((1, 4, _QB, _NC), lambda b, i: (b, 0, i, 0)),
            pl.BlockSpec((1, _QB, _D), lambda b, i: (b, i, 0)),
        ],
        out_shape=[
            jax.ShapeDtypeStruct((_B, 4, _Q, _NC), jnp.int32),
            jax.ShapeDtypeStruct((_B, 4, _Q, _NC), f32),
            jax.ShapeDtypeStruct((_B, _Q, _D), f32),
        ],
    )(query, value, ref8, W_sox, W_soy, b_sox, b_soy, W_aw, baw2, W_v, bv2,
      Ex, Ey, scolf, scoli, starti, hcoli, Sd)
    return idx, wgt, vproj


def kernel(query, value, reference_points, spatial_shapes, W_so, b_so,
           W_aw, b_aw, W_v, b_v, W_o, b_o):
    f32 = jnp.float32
    idx, wgt, vproj = _stage_a_call(query, value, reference_points,
                                    W_so, b_so, W_aw, b_aw, W_v, b_v)
    bo2 = b_o.reshape(1, _D)
    table = vproj.reshape(_B * _V * _NH, _DH)
    sampled = _sc_sample(table, idx, wgt).reshape(_B * _Q, _D)

    out = pl.pallas_call(
        _stage_c,
        grid=(_NCB,),
        in_specs=[
            pl.BlockSpec((_CB, _D), lambda i: (i, 0)),
            pl.BlockSpec((_D, _D), lambda i: (0, 0)),
            pl.BlockSpec((1, _D), lambda i: (0, 0)),
        ],
        out_specs=pl.BlockSpec((_CB, _D), lambda i: (i, 0)),
        out_shape=jax.ShapeDtypeStruct((_B * _Q, _D), f32),
    )(sampled, W_o, bo2)
    return out.reshape(_B, _Q, _D)

# --- scband reference (transcript-rebuilt; emitter-appended) ---
"""Pipeline reference for scband-multi-scale-deformable-attention-58609123721463 (READ-ONLY COPY).

The authoritative reference and input builder live on the scoring server;
editing this copy changes nothing except your own understanding.
"""

import jax, jax.numpy as jnp
import numpy as np

NH, NL, NPT, D = 8, 4, 4, 256
DH = D // NH
SHAPES = [(96, 96), (48, 48), (24, 24), (12, 12)]


def _grid_sample(feat, grid):
    # feat: (N, C, H, W); grid: (N, Hg, Wg, 2) in [-1, 1]
    # bilinear, padding_mode='zeros', align_corners=False (matches F.grid_sample)
    N, C, H, W = feat.shape
    gx = (grid[..., 0] + 1.0) * W / 2.0 - 0.5
    gy = (grid[..., 1] + 1.0) * H / 2.0 - 0.5
    x0 = jnp.floor(gx)
    y0 = jnp.floor(gy)
    flat = feat.reshape(N, C, H * W)

    def corner(xi, yi):
        valid = ((xi >= 0) & (xi <= W - 1) & (yi >= 0) & (yi <= H - 1)).astype(feat.dtype)
        xc = jnp.clip(xi, 0, W - 1).astype(jnp.int32)
        yc = jnp.clip(yi, 0, H - 1).astype(jnp.int32)
        idx = (yc * W + xc).reshape(N, 1, -1)
        g = jnp.take_along_axis(flat, idx, axis=2).reshape(N, C, xi.shape[1], xi.shape[2])
        return g * valid[:, None]

    wx1 = gx - x0
    wx0 = 1.0 - wx1
    wy1 = gy - y0
    wy0 = 1.0 - wy1
    return (corner(x0, y0) * (wx0 * wy0)[:, None]
            + corner(x0 + 1.0, y0) * (wx1 * wy0)[:, None]
            + corner(x0, y0 + 1.0) * (wx0 * wy1)[:, None]
            + corner(x0 + 1.0, y0 + 1.0) * (wx1 * wy1)[:, None])


def _forward(query, value, reference_points, spatial_shapes, W_so, b_so, W_aw, b_aw, W_v, b_v, W_o, b_o):
    B, Q, Dm = query.shape
    v = (value @ W_v + b_v).reshape(B, -1, NH, DH)
    so = (query @ W_so + b_so).reshape(B, Q, NH, NL, NPT, 2)
    aw = jax.nn.softmax((query @ W_aw + b_aw).reshape(B, Q, NH, NL * NPT), axis=-1)
    aw = aw.reshape(B, Q, NH, NL, NPT)
    # offset_scale = stack([w, h]) per level
    offs = jnp.stack([spatial_shapes[:, 1], spatial_shapes[:, 0]], -1).astype(query.dtype)
    locs = reference_points[:, :, None, :, None, :] + so / offs[None, None, None, :, None, :]
    grid = 2.0 * locs - 1.0
    start = 0
    samp = []
    for lvl in range(NL):
        h, w = SHAPES[lvl]
        feat = v[:, start:start + h * w].reshape(B, h * w, NH * DH).transpose(0, 2, 1).reshape(B * NH, DH, h, w)
        g = grid[:, :, :, lvl].transpose(0, 2, 1, 3, 4).reshape(B * NH, Q, NPT, 2)
        samp.append(_grid_sample(feat, g))
        start += h * w
    stacked = jnp.stack(samp, axis=-2).reshape(B * NH, DH, Q, NL * NPT)
    aw2 = aw.transpose(0, 2, 1, 3, 4).reshape(B * NH, 1, Q, NL * NPT)
    out = (stacked * aw2).sum(-1).reshape(B, NH * DH, Q).transpose(0, 2, 1)
    return out @ W_o + b_o


def setup_inputs(seed: int = 0):
    key = jax.random.key(seed)
    ks = jax.random.split(key, 10)
    B = 2
    V = sum(h * w for h, w in SHAPES)
    Q = V
    return {
        "query": jax.random.normal(ks[0], (B, Q, D), dtype=jnp.float32),
        "value": jax.random.normal(ks[1], (B, V, D), dtype=jnp.float32),
        "reference_points": jax.random.uniform(ks[2], (B, Q, NL, 2), dtype=jnp.float32),
        "spatial_shapes": jnp.array(SHAPES, dtype=jnp.int32),
        "W_so": jax.random.normal(ks[3], (D, NH * NL * NPT * 2), dtype=jnp.float32) * 0.01,
        "b_so": jax.random.normal(ks[4], (NH * NL * NPT * 2,), dtype=jnp.float32) * 0.2,
        "W_aw": jax.random.normal(ks[5], (D, NH * NL * NPT), dtype=jnp.float32) * 0.02,
        "b_aw": jnp.zeros((NH * NL * NPT,), dtype=jnp.float32),
        "W_v": jax.random.normal(ks[6], (D, D), dtype=jnp.float32) * 0.02,
        "b_v": jnp.zeros((D,), dtype=jnp.float32),
        "W_o": jax.random.normal(ks[7], (D, D), dtype=jnp.float32) * 0.02,
        "b_o": jnp.zeros((D,), dtype=jnp.float32),
    }


def reference(query, value, reference_points, spatial_shapes, W_so, b_so, W_aw, b_aw, W_v, b_v, W_o, b_o):
    return _forward(query, value, reference_points, spatial_shapes, W_so, b_so, W_aw, b_aw, W_v, b_v, W_o, b_o)

if __name__ == "__main__":
    import jax
    _d = setup_inputs()
    print(jax.jit(kernel)(*tuple(_d.values())))

</pallas_src>

<mosaic_0001>
#map = affine_map<(d0, d1) -> (0, 0)>
#map1 = affine_map<(d0, d1) -> (0)>
module attributes {stable_mosaic.version = 14 : i64} {
  func.func @run(%arg0: i32, %arg1: i32, %arg2: memref<195840x32xf32, #tpu.memory_space<hbm>>, %arg3: memref<12533760xi32, #tpu.memory_space<hbm>>, %arg4: memref<12533760xf32, #tpu.memory_space<hbm>>, %arg5: memref<6266880xf32, #tpu.memory_space<hbm>>, %arg6: memref<2560xi32, #tpu.memory_space<vmem>>, %arg7: memref<2560xf32, #tpu.memory_space<vmem>>, %arg8: memref<2560x32xf32, #tpu.memory_space<vmem>>, %arg9: memref<1280xf32, #tpu.memory_space<vmem>>, %arg10: memref<!tpu.dma_semaphore, #tpu.memory_space<semaphore_mem>>) attributes {dimension_semantics = [#tpu.dimension_semantics<core_parallel>, #tpu.dimension_semantics<subcore_parallel>], iteration_bounds = array<i64: 2, 16>, scalar_prefetch = 0 : i64, scratch_operands = 5 : i64, tpu.core_type = #tpu.core_type<sc_vector_subcore>, window_params = [{transform_indices = #map}, {transform_indices = #map1}, {transform_indices = #map1}, {transform_indices = #map1}]} {
    %iota3A = tpu.iota {dimensions = array<i32: 0>} : vector<16xi32>
    %scan3A = arith.constant 0 : i32
    %scan3A_0 = arith.constant 0 : i32
    %scan3A_1 = arith.constant 153 : i32
    %scan3A_2 = arith.addi %scan3A_0, %scan3A_1 : i32
    %scan3A_3 = arith.constant 1 : i32
    scf.for %scan3A_5 = %scan3A_0 to %scan3A_2 step %scan3A_3  : i32 {
      %mul3A = arith.constant 765 : i32
      %mul3A_6 = arith.muli %arg1, %mul3A : i32
      %mul3A_7 = arith.constant 5 : i32
      %mul3A_8 = arith.muli %scan3A_5, %mul3A_7 : i32
      %add3A = arith.addi %mul3A_6, %mul3A_8 : i32
      %mul3A_9 = arith.constant 4 : i32
      %mul3A_10 = arith.muli %arg0, %mul3A_9 : i32
      %mul3A_11 = arith.constant 12240 : i32
      %mul3A_12 = arith.muli %mul3A_10, %mul3A_11 : i32
      %add3A_13 = arith.addi %mul3A_12, %add3A : i32
      %mul3A_14 = arith.constant 128 : i32
      %mul3A_15 = arith.muli %add3A_13, %mul3A_14 : i32
      %add3A_16 = arith.constant 0 : i32
      %add3A_17 = arith.addi %mul3A_15, %add3A_16 : i32
      "tpu.region"() ({
        %run_scoped3A = tpu.sem_alloc : memref<!tpu.dma_semaphore, #tpu.memory_space<semaphore_mem>>
        %dma_start3A_361 = arith.constant 0 : i32
        %dma_start3A_362 = tpu.memref_slice %arg6[%dma_start3A_361] : memref<2560xi32, #tpu.memory_space<vmem>> -> memref<640xi32, #tpu.memory_space<vmem>>
        %dma_start3A_363 = tpu.memref_slice %arg3[%add3A_17] : memref<12533760xi32, #tpu.memory_space<hbm>> -> memref<640xi32, #tpu.memory_space<hbm>>
        %dma_start3A_364 = arith.constant 0 : i32
        %dma_start3A_365 = tpu.memref_slice %arg6[%dma_start3A_364] : memref<2560xi32, #tpu.memory_space<vmem>> -> memref<640xi32, #tpu.memory_space<vmem>>
        %dma_start3A_366 = tpu.memref_slice %arg3[%add3A_17] : memref<12533760xi32, #tpu.memory_space<hbm>> -> memref<640xi32, #tpu.memory_space<hbm>>
        tpu.enqueue_dma source(%dma_start3A_366 : memref<640xi32, #tpu.memory_space<hbm>>) target(%dma_start3A_365 : memref<640xi32, #tpu.memory_space<vmem>>) target_semaphore(%run_scoped3A : memref<!tpu.dma_semaphore, #tpu.memory_space<semaphore_mem>>)
        %dma_wait3A_367 = arith.constant 0 : i32
        %dma_wait3A_368 = tpu.memref_slice %arg6[%dma_wait3A_367] : memref<2560xi32, #tpu.memory_space<vmem>> -> memref<640xi32, #tpu.memory_space<vmem>>
        %dma_wait3A_369 = tpu.memref_slice %arg3[%add3A_17] : memref<12533760xi32, #tpu.memory_space<hbm>> -> memref<640xi32, #tpu.memory_space<hbm>>
        %dma_wait3A_370 = arith.constant 0 : i32
        %dma_wait3A_371 = tpu.memref_slice %arg6[%dma_wait3A_370] : memref<2560xi32, #tpu.memory_space<vmem>> -> memref<640xi32, #tpu.memory_space<vmem>>
        %dma_wait3A_372 = tpu.memref_slice %arg3[%add3A_17] : memref<12533760xi32, #tpu.memory_space<hbm>> -> memref<640xi32, #tpu.memory_space<hbm>>
        tpu.wait_dma2 semaphore(%run_scoped3A : memref<!tpu.dma_semaphore, #tpu.memory_space<semaphore_mem>>) src(%dma_wait3A_372 : memref<640xi32, #tpu.memory_space<hbm>>) dst(%dma_wait3A_371 : memref<640xi32, #tpu.memory_space<vmem>>)
        tpu.yield
      }) : () -> ()
      %add3A_18 = arith.constant 0 : i32
      %add3A_19 = arith.addi %mul3A_15, %add3A_18 : i32
      "tpu.region"() ({
        %run_scoped3A = tpu.sem_alloc : memref<!tpu.dma_semaphore, #tpu.memory_space<semaphore_mem>>
        %dma_start3A_361 = arith.constant 0 : i32
        %dma_start3A_362 = tpu.memref_slice %arg7[%dma_start3A_361] : memref<2560xf32, #tpu.memory_space<vmem>> -> memref<640xf32, #tpu.memory_space<vmem>>
        %dma_start3A_363 = tpu.memref_slice %arg4[%add3A_19] : memref<12533760xf32, #tpu.memory_space<hbm>> -> memref<640xf32, #tpu.memory_space<hbm>>
        %dma_start3A_364 = arith.constant 0 : i32
        %dma_start3A_365 = tpu.memref_slice %arg7[%dma_start3A_364] : memref<2560xf32, #tpu.memory_space<vmem>> -> memref<640xf32, #tpu.memory_space<vmem>>
        %dma_start3A_366 = tpu.memref_slice %arg4[%add3A_19] : memref<12533760xf32, #tpu.memory_space<hbm>> -> memref<640xf32, #tpu.memory_space<hbm>>
        tpu.enqueue_dma source(%dma_start3A_366 : memref<640xf32, #tpu.memory_space<hbm>>) target(%dma_start3A_365 : memref<640xf32, #tpu.memory_space<vmem>>) target_semaphore(%run_scoped3A : memref<!tpu.dma_semaphore, #tpu.memory_space<semaphore_mem>>)
        %dma_wait3A_367 = arith.constant 0 : i32
        %dma_wait3A_368 = tpu.memref_slice %arg7[%dma_wait3A_367] : memref<2560xf32, #tpu.memory_space<vmem>> -> memref<640xf32, #tpu.memory_space<vmem>>
        %dma_wait3A_369 = tpu.memref_slice %arg4[%add3A_19] : memref<12533760xf32, #tpu.memory_space<hbm>> -> memref<640xf32, #tpu.memory_space<hbm>>
        %dma_wait3A_370 = arith.constant 0 : i32
        %dma_wait3A_371 = tpu.memref_slice %arg7[%dma_wait3A_370] : memref<2560xf32, #tpu.memory_space<vmem>> -> memref<640xf32, #tpu.memory_space<vmem>>
        %dma_wait3A_372 = tpu.memref_slice %arg4[%add3A_19] : memref<12533760xf32, #tpu.memory_space<hbm>> -> memref<640xf32, #tpu.memory_space<hbm>>
        tpu.wait_dma2 semaphore(%run_scoped3A : memref<!tpu.dma_semaphore, #tpu.memory_space<semaphore_mem>>) src(%dma_wait3A_372 : memref<640xf32, #tpu.memory_space<hbm>>) dst(%dma_wait3A_371 : memref<640xf32, #tpu.memory_space<vmem>>)
        tpu.yield
      }) : () -> ()
      %add3A_20 = arith.constant 1566720 : i32
      %add3A_21 = arith.addi %mul3A_15, %add3A_20 : i32
      "tpu.region"() ({
        %run_scoped3A = tpu.sem_alloc : memref<!tpu.dma_semaphore, #tpu.memory_space<semaphore_mem>>
        %dma_start3A_361 = arith.constant 640 : i32
        %dma_start3A_362 = tpu.memref_slice %arg6[%dma_start3A_361] : memref<2560xi32, #tpu.memory_space<vmem>> -> memref<640xi32, #tpu.memory_space<vmem>>
        %dma_start3A_363 = tpu.memref_slice %arg3[%add3A_21] : memref<12533760xi32, #tpu.memory_space<hbm>> -> memref<640xi32, #tpu.memory_space<hbm>>
        %dma_start3A_364 = arith.constant 640 : i32
        %dma_start3A_365 = tpu.memref_slice %arg6[%dma_start3A_364] : memref<2560xi32, #tpu.memory_space<vmem>> -> memref<640xi32, #tpu.memory_space<vmem>>
        %dma_start3A_366 = tpu.memref_slice %arg3[%add3A_21] : memref<12533760xi32, #tpu.memory_space<hbm>> -> memref<640xi32, #tpu.memory_space<hbm>>
        tpu.enqueue_dma source(%dma_start3A_366 : memref<640xi32, #tpu.memory_space<hbm>>) target(%dma_start3A_365 : memref<640xi32, #tpu.memory_space<vmem>>) target_semaphore(%run_scoped3A : memref<!tpu.dma_semaphore, #tpu.memory_space<semaphore_mem>>)
        %dma_wait3A_367 = arith.constant 640 : i32
        %dma_wait3A_368 = tpu.memref_slice %arg6[%dma_wait3A_367] : memref<2560xi32, #tpu.memory_space<vmem>> -> memref<640xi32, #tpu.memory_space<vmem>>
        %dma_wait3A_369 = tpu.memref_slice %arg3[%add3A_21] : memref<12533760xi32, #tpu.memory_space<hbm>> -> memref<640xi32, #tpu.memory_space<hbm>>
        %dma_wait3A_370 = arith.constant 640 : i32
        %dma_wait3A_371 = tpu.memref_slice %arg6[%dma_wait3A_370] : memref<2560xi32, #tpu.memory_space<vmem>> -> memref<640xi32, #tpu.memory_space<vmem>>
        %dma_wait3A_372 = tpu.memref_slice %arg3[%add3A_21] : memref<12533760xi32, #tpu.memory_space<hbm>> -> memref<640xi32, #tpu.memory_space<hbm>>
        tpu.wait_dma2 semaphore(%run_scoped3A : memref<!tpu.dma_semaphore, #tpu.memory_space<semaphore_mem>>) src(%dma_wait3A_372 : memref<640xi32, #tpu.memory_space<hbm>>) dst(%dma_wait3A_371 : memref<640xi32, #tpu.memory_space<vmem>>)
        tpu.yield
      }) : () -> ()
      %add3A_22 = arith.constant 1566720 : i32
      %add3A_23 = arith.addi %mul3A_15, %add3A_22 : i32
      "tpu.region"() ({
        %run_scoped3A = tpu.sem_alloc : memref<!tpu.dma_semaphore, #tpu.memory_space<semaphore_mem>>
        %dma_start3A_361 = arith.constant 640 : i32
        %dma_start3A_362 = tpu.memref_slice %arg7[%dma_start3A_361] : memref<2560xf32, #tpu.memory_space<vmem>> -> memref<640xf32, #tpu.memory_space<vmem>>
        %dma_start3A_363 = tpu.memref_slice %arg4[%add3A_23] : memref<12533760xf32, #tpu.memory_space<hbm>> -> memref<640xf32, #tpu.memory_space<hbm>>
        %dma_start3A_364 = arith.constant 640 : i32
        %dma_start3A_365 = tpu.memref_slice %arg7[%dma_start3A_364] : memref<2560xf32, #tpu.memory_space<vmem>> -> memref<640xf32, #tpu.memory_space<vmem>>
        %dma_start3A_366 = tpu.memref_slice %arg4[%add3A_23] : memref<12533760xf32, #tpu.memory_space<hbm>> -> memref<640xf32, #tpu.memory_space<hbm>>
        tpu.enqueue_dma source(%dma_start3A_366 : memref<640xf32, #tpu.memory_space<hbm>>) target(%dma_start3A_365 : memref<640xf32, #tpu.memory_space<vmem>>) target_semaphore(%run_scoped3A : memref<!tpu.dma_semaphore, #tpu.memory_space<semaphore_mem>>)
        %dma_wait3A_367 = arith.constant 640 : i32
        %dma_wait3A_368 = tpu.memref_slice %arg7[%dma_wait3A_367] : memref<2560xf32, #tpu.memory_space<vmem>> -> memref<640xf32, #tpu.memory_space<vmem>>
        %dma_wait3A_369 = tpu.memref_slice %arg4[%add3A_23] : memref<12533760xf32, #tpu.memory_space<hbm>> -> memref<640xf32, #tpu.memory_space<hbm>>
        %dma_wait3A_370 = arith.constant 640 : i32
        %dma_wait3A_371 = tpu.memref_slice %arg7[%dma_wait3A_370] : memref<2560xf32, #tpu.memory_space<vmem>> -> memref<640xf32, #tpu.memory_space<vmem>>
        %dma_wait3A_372 = tpu.memref_slice %arg4[%add3A_23] : memref<12533760xf32, #tpu.memory_space<hbm>> -> memref<640xf32, #tpu.memory_space<hbm>>
        tpu.wait_dma2 semaphore(%run_scoped3A : memref<!tpu.dma_semaphore, #tpu.memory_space<semaphore_mem>>) src(%dma_wait3A_372 : memref<640xf32, #tpu.memory_space<hbm>>) dst(%dma_wait3A_371 : memref<640xf32, #tpu.memory_space<vmem>>)
        tpu.yield
      }) : () -> ()
      %add3A_24 = arith.constant 3133440 : i32
      %add3A_25 = arith.addi %mul3A_15, %add3A_24 : i32
      "tpu.region"() ({
        %run_scoped3A = tpu.sem_alloc : memref<!tpu.dma_semaphore, #tpu.memory_space<semaphore_mem>>
        %dma_start3A_361 = arith.constant 1280 : i32
        %dma_start3A_362 = tpu.memref_slice %arg6[%dma_start3A_361] : memref<2560xi32, #tpu.memory_space<vmem>> -> memref<640xi32, #tpu.memory_space<vmem>>
        %dma_start3A_363 = tpu.memref_slice %arg3[%add3A_25] : memref<12533760xi32, #tpu.memory_space<hbm>> -> memref<640xi32, #tpu.memory_space<hbm>>
        %dma_start3A_364 = arith.constant 1280 : i32
        %dma_start3A_365 = tpu.memref_slice %arg6[%dma_start3A_364] : memref<2560xi32, #tpu.memory_space<vmem>> -> memref<640xi32, #tpu.memory_space<vmem>>
        %dma_start3A_366 = tpu.memref_slice %arg3[%add3A_25] : memref<12533760xi32, #tpu.memory_space<hbm>> -> memref<640xi32, #tpu.memory_space<hbm>>
        tpu.enqueue_dma source(%dma_start3A_366 : memref<640xi32, #tpu.memory_space<hbm>>) target(%dma_start3A_365 : memref<640xi32, #tpu.memory_space<vmem>>) target_semaphore(%run_scoped3A : memref<!tpu.dma_semaphore, #tpu.memory_space<semaphore_mem>>)
        %dma_wait3A_367 = arith.constant 1280 : i32
        %dma_wait3A_368 = tpu.memref_slice %arg6[%dma_wait3A_367] : memref<2560xi32, #tpu.memory_space<vmem>> -> memref<640xi32, #tpu.memory_space<vmem>>
        %dma_wait3A_369 = tpu.memref_slice %arg3[%add3A_25] : memref<12533760xi32, #tpu.memory_space<hbm>> -> memref<640xi32, #tpu.memory_space<hbm>>
        %dma_wait3A_370 = arith.constant 1280 : i32
        %dma_wait3A_371 = tpu.memref_slice %arg6[%dma_wait3A_370] : memref<2560xi32, #tpu.memory_space<vmem>> -> memref<640xi32, #tpu.memory_space<vmem>>
        %dma_wait3A_372 = tpu.memref_slice %arg3[%add3A_25] : memref<12533760xi32, #tpu.memory_space<hbm>> -> memref<640xi32, #tpu.memory_space<hbm>>
        tpu.wait_dma2 semaphore(%run_scoped3A : memref<!tpu.dma_semaphore, #tpu.memory_space<semaphore_mem>>) src(%dma_wait3A_372 : memref<640xi32, #tpu.memory_space<hbm>>) dst(%dma_wait3A_371 : memref<640xi32, #tpu.memory_space<vmem>>)
        tpu.yield
      }) : () -> ()
      %add3A_26 = arith.constant 3133440 : i32
      %add3A_27 = arith.addi %mul3A_15, %add3A_26 : i32
      "tpu.region"() ({
        %run_scoped3A = tpu.sem_alloc : memref<!tpu.dma_semaphore, #tpu.memory_space<semaphore_mem>>
        %dma_start3A_361 = arith.constant 1280 : i32
        %dma_start3A_362 = tpu.memref_slice %arg7[%dma_start3A_361] : memref<2560xf32, #tpu.memory_space<vmem>> -> memref<640xf32, #tpu.memory_space<vmem>>
        %dma_start3A_363 = tpu.memref_slice %arg4[%add3A_27] : memref<12533760xf32, #tpu.memory_space<hbm>> -> memref<640xf32, #tpu.memory_space<hbm>>
        %dma_start3A_364 = arith.constant 1280 : i32
        %dma_start3A_365 = tpu.memref_slice %arg7[%dma_start3A_364] : memref<2560xf32, #tpu.memory_space<vmem>> -> memref<640xf32, #tpu.memory_space<vmem>>
        %dma_start3A_366 = tpu.memref_slice %arg4[%add3A_27] : memref<12533760xf32, #tpu.memory_space<hbm>> -> memref<640xf32, #tpu.memory_space<hbm>>
        tpu.enqueue_dma source(%dma_start3A_366 : memref<640xf32, #tpu.memory_space<hbm>>) target(%dma_start3A_365 : memref<640xf32, #tpu.memory_space<vmem>>) target_semaphore(%run_scoped3A : memref<!tpu.dma_semaphore, #tpu.memory_space<semaphore_mem>>)
        %dma_wait3A_367 = arith.constant 1280 : i32
        %dma_wait3A_368 = tpu.memref_slice %arg7[%dma_wait3A_367] : memref<2560xf32, #tpu.memory_space<vmem>> -> memref<640xf32, #tpu.memory_space<vmem>>
        %dma_wait3A_369 = tpu.memref_slice %arg4[%add3A_27] : memref<12533760xf32, #tpu.memory_space<hbm>> -> memref<640xf32, #tpu.memory_space<hbm>>
        %dma_wait3A_370 = arith.constant 1280 : i32
        %dma_wait3A_371 = tpu.memref_slice %arg7[%dma_wait3A_370] : memref<2560xf32, #tpu.memory_space<vmem>> -> memref<640xf32, #tpu.memory_space<vmem>>
        %dma_wait3A_372 = tpu.memref_slice %arg4[%add3A_27] : memref<12533760xf32, #tpu.memory_space<hbm>> -> memref<640xf32, #tpu.memory_space<hbm>>
        tpu.wait_dma2 semaphore(%run_scoped3A : memref<!tpu.dma_semaphore, #tpu.memory_space<semaphore_mem>>) src(%dma_wait3A_372 : memref<640xf32, #tpu.memory_space<hbm>>) dst(%dma_wait3A_371 : memref<640xf32, #tpu.memory_space<vmem>>)
        tpu.yield
      }) : () -> ()
      %add3A_28 = arith.constant 4700160 : i32
      %add3A_29 = arith.addi %mul3A_15, %add3A_28 : i32
      "tpu.region"() ({
        %run_scoped3A = tpu.sem_alloc : memref<!tpu.dma_semaphore, #tpu.memory_space<semaphore_mem>>
        %dma_start3A_361 = arith.constant 1920 : i32
        %dma_start3A_362 = tpu.memref_slice %arg6[%dma_start3A_361] : memref<2560xi32, #tpu.memory_space<vmem>> -> memref<640xi32, #tpu.memory_space<vmem>>
        %dma_start3A_363 = tpu.memref_slice %arg3[%add3A_29] : memref<12533760xi32, #tpu.memory_space<hbm>> -> memref<640xi32, #tpu.memory_space<hbm>>
        %dma_start3A_364 = arith.constant 1920 : i32
        %dma_start3A_365 = tpu.memref_slice %arg6[%dma_start3A_364] : memref<2560xi32, #tpu.memory_space<vmem>> -> memref<640xi32, #tpu.memory_space<vmem>>
        %dma_start3A_366 = tpu.memref_slice %arg3[%add3A_29] : memref<12533760xi32, #tpu.memory_space<hbm>> -> memref<640xi32, #tpu.memory_space<hbm>>
        tpu.enqueue_dma source(%dma_start3A_366 : memref<640xi32, #tpu.memory_space<hbm>>) target(%dma_start3A_365 : memref<640xi32, #tpu.memory_space<vmem>>) target_semaphore(%run_scoped3A : memref<!tpu.dma_semaphore, #tpu.memory_space<semaphore_mem>>)
        %dma_wait3A_367 = arith.constant 1920 : i32
        %dma_wait3A_368 = tpu.memref_slice %arg6[%dma_wait3A_367] : memref<2560xi32, #tpu.memory_space<vmem>> -> memref<640xi32, #tpu.memory_space<vmem>>
        %dma_wait3A_369 = tpu.memref_slice %arg3[%add3A_29] : memref<12533760xi32, #tpu.memory_space<hbm>> -> memref<640xi32, #tpu.memory_space<hbm>>
        %dma_wait3A_370 = arith.constant 1920 : i32
        %dma_wait3A_371 = tpu.memref_slice %arg6[%dma_wait3A_370] : memref<2560xi32, #tpu.memory_space<vmem>> -> memref<640xi32, #tpu.memory_space<vmem>>
        %dma_wait3A_372 = tpu.memref_slice %arg3[%add3A_29] : memref<12533760xi32, #tpu.memory_space<hbm>> -> memref<640xi32, #tpu.memory_space<hbm>>
        tpu.wait_dma2 semaphore(%run_scoped3A : memref<!tpu.dma_semaphore, #tpu.memory_space<semaphore_mem>>) src(%dma_wait3A_372 : memref<640xi32, #tpu.memory_space<hbm>>) dst(%dma_wait3A_371 : memref<640xi32, #tpu.memory_space<vmem>>)
        tpu.yield
      }) : () -> ()
      %add3A_30 = arith.constant 4700160 : i32
      %add3A_31 = arith.addi %mul3A_15, %add3A_30 : i32
      "tpu.region"() ({
        %run_scoped3A = tpu.sem_alloc : memref<!tpu.dma_semaphore, #tpu.memory_space<semaphore_mem>>
        %dma_start3A_361 = arith.constant 1920 : i32
        %dma_start3A_362 = tpu.memref_slice %arg7[%dma_start3A_361] : memref<2560xf32, #tpu.memory_space<vmem>> -> memref<640xf32, #tpu.memory_space<vmem>>
        %dma_start3A_363 = tpu.memref_slice %arg4[%add3A_31] : memref<12533760xf32, #tpu.memory_space<hbm>> -> memref<640xf32, #tpu.memory_space<hbm>>
        %dma_start3A_364 = arith.constant 1920 : i32
        %dma_start3A_365 = tpu.memref_slice %arg7[%dma_start3A_364] : memref<2560xf32, #tpu.memory_space<vmem>> -> memref<640xf32, #tpu.memory_space<vmem>>
        %dma_start3A_366 = tpu.memref_slice %arg4[%add3A_31] : memref<12533760xf32, #tpu.memory_space<hbm>> -> memref<640xf32, #tpu.memory_space<hbm>>
        tpu.enqueue_dma source(%dma_start3A_366 : memref<640xf32, #tpu.memory_space<hbm>>) target(%dma_start3A_365 : memref<640xf32, #tpu.memory_space<vmem>>) target_semaphore(%run_scoped3A : memref<!tpu.dma_semaphore, #tpu.memory_space<semaphore_mem>>)
        %dma_wait3A_367 = arith.constant 1920 : i32
        %dma_wait3A_368 = tpu.memref_slice %arg7[%dma_wait3A_367] : memref<2560xf32, #tpu.memory_space<vmem>> -> memref<640xf32, #tpu.memory_space<vmem>>
        %dma_wait3A_369 = tpu.memref_slice %arg4[%add3A_31] : memref<12533760xf32, #tpu.memory_space<hbm>> -> memref<640xf32, #tpu.memory_space<hbm>>
        %dma_wait3A_370 = arith.constant 1920 : i32
        %dma_wait3A_371 = tpu.memref_slice %arg7[%dma_wait3A_370] : memref<2560xf32, #tpu.memory_space<vmem>> -> memref<640xf32, #tpu.memory_space<vmem>>
        %dma_wait3A_372 = tpu.memref_slice %arg4[%add3A_31] : memref<12533760xf32, #tpu.memory_space<hbm>> -> memref<640xf32, #tpu.memory_space<hbm>>
        tpu.wait_dma2 semaphore(%run_scoped3A : memref<!tpu.dma_semaphore, #tpu.memory_space<semaphore_mem>>) src(%dma_wait3A_372 : memref<640xf32, #tpu.memory_space<hbm>>) dst(%dma_wait3A_371 : memref<640xf32, #tpu.memory_space<vmem>>)
        tpu.yield
      }) : () -> ()
      %dma_start3A = arith.constant 0 : i32
      %dma_start3A_32 = arith.constant 0 : i32
      %dma_start3A_33 = tpu.memref_slice %arg8[%dma_start3A, %dma_start3A_32] : memref<2560x32xf32, #tpu.memory_space<vmem>> -> memref<128x32xf32, #tpu.memory_space<vmem>>
      %dma_start3A_34 = arith.constant 0 : i32
      %dma_start3A_35 = tpu.memref_slice %arg6[%dma_start3A_34] : memref<2560xi32, #tpu.memory_space<vmem>> -> memref<128xi32, #tpu.memory_space<vmem>>
      %dma_start3A_36 = arith.constant 0 : i32
      %dma_start3A_37 = arith.constant 0 : i32
      %dma_start3A_38 = tpu.memref_slice %arg2[%dma_start3A_36, %dma_start3A_37] : memref<195840x32xf32, #tpu.memory_space<hbm>> -> memref<195840x32xf32, #tpu.memory_space<hbm>>
      tpu.enqueue_indirect_dma source(%dma_start3A_38 : memref<195840x32xf32, #tpu.memory_space<hbm>>) target(%dma_start3A_33 : memref<128x32xf32, #tpu.memory_space<vmem>>) offsets(%dma_start3A_35 : memref<128xi32, #tpu.memory_space<vmem>>) semaphore(%arg10 : memref<!tpu.dma_semaphore, #tpu.memory_space<semaphore_mem>>)
      %dma_start3A_39 = arith.constant 128 : i32
      %dma_start3A_40 = arith.constant 0 : i32
      %dma_start3A_41 = tpu.memref_slice %arg8[%dma_start3A_39, %dma_start3A_40] : memref<2560x32xf32, #tpu.memory_space<vmem>> -> memref<128x32xf32, #tpu.memory_space<vmem>>
      %dma_start3A_42 = arith.constant 128 : i32
      %dma_start3A_43 = tpu.memref_slice %arg6[%dma_start3A_42] : memref<2560xi32, #tpu.memory_space<vmem>> -> memref<128xi32, #tpu.memory_space<vmem>>
      %dma_start3A_44 = arith.constant 0 : i32
      %dma_start3A_45 = arith.constant 0 : i32
      %dma_start3A_46 = tpu.memref_slice %arg2[%dma_start3A_44, %dma_start3A_45] : memref<195840x32xf32, #tpu.memory_space<hbm>> -> memref<195840x32xf32, #tpu.memory_space<hbm>>
      tpu.enqueue_indirect_dma source(%dma_start3A_46 : memref<195840x32xf32, #tpu.memory_space<hbm>>) target(%dma_start3A_41 : memref<128x32xf32, #tpu.memory_space<vmem>>) offsets(%dma_start3A_43 : memref<128xi32, #tpu.memory_space<vmem>>) semaphore(%arg10 : memref<!tpu.dma_semaphore, #tpu.memory_space<semaphore_mem>>)
      %dma_start3A_47 = arith.constant 256 : i32
      %dma_start3A_48 = arith.constant 0 : i32
      %dma_start3A_49 = tpu.memref_slice %arg8[%dma_start3A_47, %dma_start3A_48] : memref<2560x32xf32, #tpu.memory_space<vmem>> -> memref<128x32xf32, #tpu.memory_space<vmem>>
      %dma_start3A_50 = arith.constant 256 : i32
      %dma_start3A_51 = tpu.memref_slice %arg6[%dma_start3A_50] : memref<2560xi32, #tpu.memory_space<vmem>> -> memref<128xi32, #tpu.memory_space<vmem>>
      %dma_start3A_52 = arith.constant 0 : i32
      %dma_start3A_53 = arith.constant 0 : i32
      %dma_start3A_54 = tpu.memref_slice %arg2[%dma_start3A_52, %dma_start3A_53] : memref<195840x32xf32, #tpu.memory_space<hbm>> -> memref<195840x32xf32, #tpu.memory_space<hbm>>
      tpu.enqueue_indirect_dma source(%dma_start3A_54 : memref<195840x32xf32, #tpu.memory_space<hbm>>) target(%dma_start3A_49 : memref<128x32xf32, #tpu.memory_space<vmem>>) offsets(%dma_start3A_51 : memref<128xi32, #tpu.memory_space<vmem>>) semaphore(%arg10 : memref<!tpu.dma_semaphore, #tpu.memory_space<semaphore_mem>>)
      %dma_start3A_55 = arith.constant 384 : i32
      %dma_start3A_56 = arith.constant 0 : i32
      %dma_start3A_57 = tpu.memref_slice %arg8[%dma_start3A_55, %dma_start3A_56] : memref<2560x32xf32, #tpu.memory_space<vmem>> -> memref<128x32xf32, #tpu.memory_space<vmem>>
      %dma_start3A_58 = arith.constant 384 : i32
      %dma_start3A_59 = tpu.memref_slice %arg6[%dma_start3A_58] : memref<2560xi32, #tpu.memory_space<vmem>> -> memref<128xi32, #tpu.memory_space<vmem>>
      %dma_start3A_60 = arith.constant 0 : i32
      %dma_start3A_61 = arith.constant 0 : i32
      %dma_start3A_62 = tpu.memref_slice %arg2[%dma_start3A_60, %dma_start3A_61] : memref<195840x32xf32, #tpu.memory_space<hbm>> -> memref<195840x32xf32, #tpu.memory_space<hbm>>
      tpu.enqueue_indirect_dma source(%dma_start3A_62 : memref<195840x32xf32, #tpu.memory_space<hbm>>) target(%dma_start3A_57 : memref<128x32xf32, #tpu.memory_space<vmem>>) offsets(%dma_start3A_59 : memref<128xi32, #tpu.memory_space<vmem>>) semaphore(%arg10 : memref<!tpu.dma_semaphore, #tpu.memory_space<semaphore_mem>>)
      %dma_start3A_63 = arith.constant 512 : i32
      %dma_start3A_64 = arith.constant 0 : i32
      %dma_start3A_65 = tpu.memref_slice %arg8[%dma_start3A_63, %dma_start3A_64] : memref<2560x32xf32, #tpu.memory_space<vmem>> -> memref<128x32xf32, #tpu.memory_space<vmem>>
      %dma_start3A_66 = arith.constant 512 : i32
      %dma_start3A_67 = tpu.memref_slice %arg6[%dma_start3A_66] : memref<2560xi32, #tpu.memory_space<vmem>> -> memref<128xi32, #tpu.memory_space<vmem>>
      %dma_start3A_68 = arith.constant 0 : i32
      %dma_start3A_69 = arith.constant 0 : i32
      %dma_start3A_70 = tpu.memref_slice %arg2[%dma_start3A_68, %dma_start3A_69] : memref<195840x32xf32, #tpu.memory_space<hbm>> -> memref<195840x32xf32, #tpu.memory_space<hbm>>
      tpu.enqueue_indirect_dma source(%dma_start3A_70 : memref<195840x32xf32, #tpu.memory_space<hbm>>) target(%dma_start3A_65 : memref<128x32xf32, #tpu.memory_space<vmem>>) offsets(%dma_start3A_67 : memref<128xi32, #tpu.memory_space<vmem>>) semaphore(%arg10 : memref<!tpu.dma_semaphore, #tpu.memory_space<semaphore_mem>>)
      %dma_start3A_71 = arith.constant 640 : i32
      %dma_start3A_72 = arith.constant 0 : i32
      %dma_start3A_73 = tpu.memref_slice %arg8[%dma_start3A_71, %dma_start3A_72] : memref<2560x32xf32, #tpu.memory_space<vmem>> -> memref<128x32xf32, #tpu.memory_space<vmem>>
      %dma_start3A_74 = arith.constant 640 : i32
      %dma_start3A_75 = tpu.memref_slice %arg6[%dma_start3A_74] : memref<2560xi32, #tpu.memory_space<vmem>> -> memref<128xi32, #tpu.memory_space<vmem>>
      %dma_start3A_76 = arith.constant 0 : i32
      %dma_start3A_77 = arith.constant 0 : i32
      %dma_start3A_78 = tpu.memref_slice %arg2[%dma_start3A_76, %dma_start3A_77] : memref<195840x32xf32, #tpu.memory_space<hbm>> -> memref<195840x32xf32, #tpu.memory_space<hbm>>
      tpu.enqueue_indirect_dma source(%dma_start3A_78 : memref<195840x32xf32, #tpu.memory_space<hbm>>) target(%dma_start3A_73 : memref<128x32xf32, #tpu.memory_space<vmem>>) offsets(%dma_start3A_75 : memref<128xi32, #tpu.memory_space<vmem>>) semaphore(%arg10 : memref<!tpu.dma_semaphore, #tpu.memory_space<semaphore_mem>>)
      %dma_start3A_79 = arith.constant 768 : i32
      %dma_start3A_80 = arith.constant 0 : i32
      %dma_start3A_81 = tpu.memref_slice %arg8[%dma_start3A_79, %dma_start3A_80] : memref<2560x32xf32, #tpu.memory_space<vmem>> -> memref<128x32xf32, #tpu.memory_space<vmem>>
      %dma_start3A_82 = arith.constant 768 : i32
      %dma_start3A_83 = tpu.memref_slice %arg6[%dma_start3A_82] : memref<2560xi32, #tpu.memory_space<vmem>> -> memref<128xi32, #tpu.memory_space<vmem>>
      %dma_start3A_84 = arith.constant 0 : i32
      %dma_start3A_85 = arith.constant 0 : i32
      %dma_start3A_86 = tpu.memref_slice %arg2[%dma_start3A_84, %dma_start3A_85] : memref<195840x32xf32, #tpu.memory_space<hbm>> -> memref<195840x32xf32, #tpu.memory_space<hbm>>
      tpu.enqueue_indirect_dma source(%dma_start3A_86 : memref<195840x32xf32, #tpu.memory_space<hbm>>) target(%dma_start3A_81 : memref<128x32xf32, #tpu.memory_space<vmem>>) offsets(%dma_start3A_83 : memref<128xi32, #tpu.memory_space<vmem>>) semaphore(%arg10 : memref<!tpu.dma_semaphore, #tpu.memory_space<semaphore_mem>>)
      %dma_start3A_87 = arith.constant 896 : i32
      %dma_start3A_88 = arith.constant 0 : i32
      %dma_start3A_89 = tpu.memref_slice %arg8[%dma_start3A_87, %dma_start3A_88] : memref<2560x32xf32, #tpu.memory_space<vmem>> -> memref<128x32xf32, #tpu.memory_space<vmem>>
      %dma_start3A_90 = arith.constant 896 : i32
      %dma_start3A_91 = tpu.memref_slice %arg6[%dma_start3A_90] : memref<2560xi32, #tpu.memory_space<vmem>> -> memref<128xi32, #tpu.memory_space<vmem>>
      %dma_start3A_92 = arith.constant 0 : i32
      %dma_start3A_93 = arith.constant 0 : i32
      %dma_start3A_94 = tpu.memref_slice %arg2[%dma_start3A_92, %dma_start3A_93] : memref<195840x32xf32, #tpu.memory_space<hbm>> -> memref<195840x32xf32, #tpu.memory_space<hbm>>
      tpu.enqueue_indirect_dma source(%dma_start3A_94 : memref<195840x32xf32, #tpu.memory_space<hbm>>) target(%dma_start3A_89 : memref<128x32xf32, #tpu.memory_space<vmem>>) offsets(%dma_start3A_91 : memref<128xi32, #tpu.memory_space<vmem>>) semaphore(%arg10 : memref<!tpu.dma_semaphore, #tpu.memory_space<semaphore_mem>>)
      %dma_start3A_95 = arith.constant 1024 : i32
      %dma_start3A_96 = arith.constant 0 : i32
      %dma_start3A_97 = tpu.memref_slice %arg8[%dma_start3A_95, %dma_start3A_96] : memref<2560x32xf32, #tpu.memory_space<vmem>> -> memref<128x32xf32, #tpu.memory_space<vmem>>
      %dma_start3A_98 = arith.constant 1024 : i32
      %dma_start3A_99 = tpu.memref_slice %arg6[%dma_start3A_98] : memref<2560xi32, #tpu.memory_space<vmem>> -> memref<128xi32, #tpu.memory_space<vmem>>
      %dma_start3A_100 = arith.constant 0 : i32
      %dma_start3A_101 = arith.constant 0 : i32
      %dma_start3A_102 = tpu.memref_slice %arg2[%dma_start3A_100, %dma_start3A_101] : memref<195840x32xf32, #tpu.memory_space<hbm>> -> memref<195840x32xf32, #tpu.memory_space<hbm>>
      tpu.enqueue_indirect_dma source(%dma_start3A_102 : memref<195840x32xf32, #tpu.memory_space<hbm>>) target(%dma_start3A_97 : memref<128x32xf32, #tpu.memory_space<vmem>>) offsets(%dma_start3A_99 : memref<128xi32, #tpu.memory_space<vmem>>) semaphore(%arg10 : memref<!tpu.dma_semaphore, #tpu.memory_space<semaphore_mem>>)
      %dma_start3A_103 = arith.constant 1152 : i32
      %dma_start3A_104 = arith.constant 0 : i32
      %dma_start3A_105 = tpu.memref_slice %arg8[%dma_start3A_103, %dma_start3A_104] : memref<2560x32xf32, #tpu.memory_space<vmem>> -> memref<128x32xf32, #tpu.memory_space<vmem>>
      %dma_start3A_106 = arith.constant 1152 : i32
      %dma_start3A_107 = tpu.memref_slice %arg6[%dma_start3A_106] : memref<2560xi32, #tpu.memory_space<vmem>> -> memref<128xi32, #tpu.memory_space<vmem>>
      %dma_start3A_108 = arith.constant 0 : i32
      %dma_start3A_109 = arith.constant 0 : i32
      %dma_start3A_110 = tpu.memref_slice %arg2[%dma_start3A_108, %dma_start3A_109] : memref<195840x32xf32, #tpu.memory_space<hbm>> -> memref<195840x32xf32, #tpu.memory_space<hbm>>
      tpu.enqueue_indirect_dma source(%dma_start3A_110 : memref<195840x32xf32, #tpu.memory_space<hbm>>) target(%dma_start3A_105 : memref<128x32xf32, #tpu.memory_space<vmem>>) offsets(%dma_start3A_107 : memref<128xi32, #tpu.memory_space<vmem>>) semaphore(%arg10 : memref<!tpu.dma_semaphore, #tpu.memory_space<semaphore_mem>>)
      %dma_start3A_111 = arith.constant 1280 : i32
      %dma_start3A_112 = arith.constant 0 : i32
      %dma_start3A_113 = tpu.memref_slice %arg8[%dma_start3A_111, %dma_start3A_112] : memref<2560x32xf32, #tpu.memory_space<vmem>> -> memref<128x32xf32, #tpu.memory_space<vmem>>
      %dma_start3A_114 = arith.constant 1280 : i32
      %dma_start3A_115 = tpu.memref_slice %arg6[%dma_start3A_114] : memref<2560xi32, #tpu.memory_space<vmem>> -> memref<128xi32, #tpu.memory_space<vmem>>
      %dma_start3A_116 = arith.constant 0 : i32
      %dma_start3A_117 = arith.constant 0 : i32
      %dma_start3A_118 = tpu.memref_slice %arg2[%dma_start3A_116, %dma_start3A_117] : memref<195840x32xf32, #tpu.memory_space<hbm>> -> memref<195840x32xf32, #tpu.memory_space<hbm>>
      tpu.enqueue_indirect_dma source(%dma_start3A_118 : memref<195840x32xf32, #tpu.memory_space<hbm>>) target(%dma_start3A_113 : memref<128x32xf32, #tpu.memory_space<vmem>>) offsets(%dma_start3A_115 : memref<128xi32, #tpu.memory_space<vmem>>) semaphore(%arg10 : memref<!tpu.dma_semaphore, #tpu.memory_space<semaphore_mem>>)
      %dma_start3A_119 = arith.constant 1408 : i32
      %dma_start3A_120 = arith.constant 0 : i32
      %dma_start3A_121 = tpu.memref_slice %arg8[%dma_start3A_119, %dma_start3A_120] : memref<2560x32xf32, #tpu.memory_space<vmem>> -> memref<128x32xf32, #tpu.memory_space<vmem>>
      %dma_start3A_122 = arith.constant 1408 : i32
      %dma_start3A_123 = tpu.memref_slice %arg6[%dma_start3A_122] : memref<2560xi32, #tpu.memory_space<vmem>> -> memref<128xi32, #tpu.memory_space<vmem>>
      %dma_start3A_124 = arith.constant 0 : i32
      %dma_start3A_125 = arith.constant 0 : i32
      %dma_start3A_126 = tpu.memref_slice %arg2[%dma_start3A_124, %dma_start3A_125] : memref<195840x32xf32, #tpu.memory_space<hbm>> -> memref<195840x32xf32, #tpu.memory_space<hbm>>
      tpu.enqueue_indirect_dma source(%dma_start3A_126 : memref<195840x32xf32, #tpu.memory_space<hbm>>) target(%dma_start3A_121 : memref<128x32xf32, #tpu.memory_space<vmem>>) offsets(%dma_start3A_123 : memref<128xi32, #tpu.memory_space<vmem>>) semaphore(%arg10 : memref<!tpu.dma_semaphore, #tpu.memory_space<semaphore_mem>>)
      %dma_start3A_127 = arith.constant 1536 : i32
      %dma_start3A_128 = arith.constant 0 : i32
      %dma_start3A_129 = tpu.memref_slice %arg8[%dma_start3A_127, %dma_start3A_128] : memref<2560x32xf32, #tpu.memory_space<vmem>> -> memref<128x32xf32, #tpu.memory_space<vmem>>
      %dma_start3A_130 = arith.constant 1536 : i32
      %dma_start3A_131 = tpu.memref_slice %arg6[%dma_start3A_130] : memref<2560xi32, #tpu.memory_space<vmem>> -> memref<128xi32, #tpu.memory_space<vmem>>
      %dma_start3A_132 = arith.constant 0 : i32
      %dma_start3A_133 = arith.constant 0 : i32
      %dma_start3A_134 = tpu.memref_slice %arg2[%dma_start3A_132, %dma_start3A_133] : memref<195840x32xf32, #tpu.memory_space<hbm>> -> memref<195840x32xf32, #tpu.memory_space<hbm>>
      tpu.enqueue_indirect_dma source(%dma_start3A_134 : memref<195840x32xf32, #tpu.memory_space<hbm>>) target(%dma_start3A_129 : memref<128x32xf32, #tpu.memory_space<vmem>>) offsets(%dma_start3A_131 : memref<128xi32, #tpu.memory_space<vmem>>) semaphore(%arg10 : memref<!tpu.dma_semaphore, #tpu.memory_space<semaphore_mem>>)
      %dma_start3A_135 = arith.constant 1664 : i32
      %dma_start3A_136 = arith.constant 0 : i32
      %dma_start3A_137 = tpu.memref_slice %arg8[%dma_start3A_135, %dma_start3A_136] : memref<2560x32xf32, #tpu.memory_space<vmem>> -> memref<128x32xf32, #tpu.memory_space<vmem>>
      %dma_start3A_138 = arith.constant 1664 : i32
      %dma_start3A_139 = tpu.memref_slice %arg6[%dma_start3A_138] : memref<2560xi32, #tpu.memory_space<vmem>> -> memref<128xi32, #tpu.memory_space<vmem>>
      %dma_start3A_140 = arith.constant 0 : i32
      %dma_start3A_141 = arith.constant 0 : i32
      %dma_start3A_142 = tpu.memref_slice %arg2[%dma_start3A_140, %dma_start3A_141] : memref<195840x32xf32, #tpu.memory_space<hbm>> -> memref<195840x32xf32, #tpu.memory_space<hbm>>
      tpu.enqueue_indirect_dma source(%dma_start3A_142 : memref<195840x32xf32, #tpu.memory_space<hbm>>) target(%dma_start3A_137 : memref<128x32xf32, #tpu.memory_space<vmem>>) offsets(%dma_start3A_139 : memref<128xi32, #tpu.memory_space<vmem>>) semaphore(%arg10 : memref<!tpu.dma_semaphore, #tpu.memory_space<semaphore_mem>>)
      %dma_start3A_143 = arith.constant 1792 : i32
      %dma_start3A_144 = arith.constant 0 : i32
      %dma_start3A_145 = tpu.memref_slice %arg8[%dma_start3A_143, %dma_start3A_144] : memref<2560x32xf32, #tpu.memory_space<vmem>> -> memref<128x32xf32, #tpu.memory_space<vmem>>
      %dma_start3A_146 = arith.constant 1792 : i32
      %dma_start3A_147 = tpu.memref_slice %arg6[%dma_start3A_146] : memref<2560xi32, #tpu.memory_space<vmem>> -> memref<128xi32, #tpu.memory_space<vmem>>
      %dma_start3A_148 = arith.constant 0 : i32
      %dma_start3A_149 = arith.constant 0 : i32
      %dma_start3A_150 = tpu.memref_slice %arg2[%dma_start3A_148, %dma_start3A_149] : memref<195840x32xf32, #tpu.memory_space<hbm>> -> memref<195840x32xf32, #tpu.memory_space<hbm>>
      tpu.enqueue_indirect_dma source(%dma_start3A_150 : memref<195840x32xf32, #tpu.memory_space<hbm>>) target(%dma_start3A_145 : memref<128x32xf32, #tpu.memory_space<vmem>>) offsets(%dma_start3A_147 : memref<128xi32, #tpu.memory_space<vmem>>) semaphore(%arg10 : memref<!tpu.dma_semaphore, #tpu.memory_space<semaphore_mem>>)
      %dma_start3A_151 = arith.constant 1920 : i32
      %dma_start3A_152 = arith.constant 0 : i32
      %dma_start3A_153 = tpu.memref_slice %arg8[%dma_start3A_151, %dma_start3A_152] : memref<2560x32xf32, #tpu.memory_space<vmem>> -> memref<128x32xf32, #tpu.memory_space<vmem>>
      %dma_start3A_154 = arith.constant 1920 : i32
      %dma_start3A_155 = tpu.memref_slice %arg6[%dma_start3A_154] : memref<2560xi32, #tpu.memory_space<vmem>> -> memref<128xi32, #tpu.memory_space<vmem>>
      %dma_start3A_156 = arith.constant 0 : i32
      %dma_start3A_157 = arith.constant 0 : i32
      %dma_start3A_158 = tpu.memref_slice %arg2[%dma_start3A_156, %dma_start3A_157] : memref<195840x32xf32, #tpu.memory_space<hbm>> -> memref<195840x32xf32, #tpu.memory_space<hbm>>
      tpu.enqueue_indirect_dma source(%dma_start3A_158 : memref<195840x32xf32, #tpu.memory_space<hbm>>) target(%dma_start3A_153 : memref<128x32xf32, #tpu.memory_space<vmem>>) offsets(%dma_start3A_155 : memref<128xi32, #tpu.memory_space<vmem>>) semaphore(%arg10 : memref<!tpu.dma_semaphore, #tpu.memory_space<semaphore_mem>>)
      %dma_start3A_159 = arith.constant 2048 : i32
      %dma_start3A_160 = arith.constant 0 : i32
      %dma_start3A_161 = tpu.memref_slice %arg8[%dma_start3A_159, %dma_start3A_160] : memref<2560x32xf32, #tpu.memory_space<vmem>> -> memref<128x32xf32, #tpu.memory_space<vmem>>
      %dma_start3A_162 = arith.constant 2048 : i32
      %dma_start3A_163 = tpu.memref_slice %arg6[%dma_start3A_162] : memref<2560xi32, #tpu.memory_space<vmem>> -> memref<128xi32, #tpu.memory_space<vmem>>
      %dma_start3A_164 = arith.constant 0 : i32
      %dma_start3A_165 = arith.constant 0 : i32
      %dma_start3A_166 = tpu.memref_slice %arg2[%dma_start3A_164, %dma_start3A_165] : memref<195840x32xf32, #tpu.memory_space<hbm>> -> memref<195840x32xf32, #tpu.memory_space<hbm>>
      tpu.enqueue_indirect_dma source(%dma_start3A_166 : memref<195840x32xf32, #tpu.memory_space<hbm>>) target(%dma_start3A_161 : memref<128x32xf32, #tpu.memory_space<vmem>>) offsets(%dma_start3A_163 : memref<128xi32, #tpu.memory_space<vmem>>) semaphore(%arg10 : memref<!tpu.dma_semaphore, #tpu.memory_space<semaphore_mem>>)
      %dma_start3A_167 = arith.constant 2176 : i32
      %dma_start3A_168 = arith.constant 0 : i32
      %dma_start3A_169 = tpu.memref_slice %arg8[%dma_start3A_167, %dma_start3A_168] : memref<2560x32xf32, #tpu.memory_space<vmem>> -> memref<128x32xf32, #tpu.memory_space<vmem>>
      %dma_start3A_170 = arith.constant 2176 : i32
      %dma_start3A_171 = tpu.memref_slice %arg6[%dma_start3A_170] : memref<2560xi32, #tpu.memory_space<vmem>> -> memref<128xi32, #tpu.memory_space<vmem>>
      %dma_start3A_172 = arith.constant 0 : i32
      %dma_start3A_173 = arith.constant 0 : i32
      %dma_start3A_174 = tpu.memref_slice %arg2[%dma_start3A_172, %dma_start3A_173] : memref<195840x32xf32, #tpu.memory_space<hbm>> -> memref<195840x32xf32, #tpu.memory_space<hbm>>
      tpu.enqueue_indirect_dma source(%dma_start3A_174 : memref<195840x32xf32, #tpu.memory_space<hbm>>) target(%dma_start3A_169 : memref<128x32xf32, #tpu.memory_space<vmem>>) offsets(%dma_start3A_171 : memref<128xi32, #tpu.memory_space<vmem>>) semaphore(%arg10 : memref<!tpu.dma_semaphore, #tpu.memory_space<semaphore_mem>>)
      %dma_start3A_175 = arith.constant 2304 : i32
      %dma_start3A_176 = arith.constant 0 : i32
      %dma_start3A_177 = tpu.memref_slice %arg8[%dma_start3A_175, %dma_start3A_176] : memref<2560x32xf32, #tpu.memory_space<vmem>> -> memref<128x32xf32, #tpu.memory_space<vmem>>
      %dma_start3A_178 = arith.constant 2304 : i32
      %dma_start3A_179 = tpu.memref_slice %arg6[%dma_start3A_178] : memref<2560xi32, #tpu.memory_space<vmem>> -> memref<128xi32, #tpu.memory_space<vmem>>
      %dma_start3A_180 = arith.constant 0 : i32
      %dma_start3A_181 = arith.constant 0 : i32
      %dma_start3A_182 = tpu.memref_slice %arg2[%dma_start3A_180, %dma_start3A_181] : memref<195840x32xf32, #tpu.memory_space<hbm>> -> memref<195840x32xf32, #tpu.memory_space<hbm>>
      tpu.enqueue_indirect_dma source(%dma_start3A_182 : memref<195840x32xf32, #tpu.memory_space<hbm>>) target(%dma_start3A_177 : memref<128x32xf32, #tpu.memory_space<vmem>>) offsets(%dma_start3A_179 : memref<128xi32, #tpu.memory_space<vmem>>) semaphore(%arg10 : memref<!tpu.dma_semaphore, #tpu.memory_space<semaphore_mem>>)
      %dma_start3A_183 = arith.constant 2432 : i32
      %dma_start3A_184 = arith.constant 0 : i32
      %dma_start3A_185 = tpu.memref_slice %arg8[%dma_start3A_183, %dma_start3A_184] : memref<2560x32xf32, #tpu.memory_space<vmem>> -> memref<128x32xf32, #tpu.memory_space<vmem>>
      %dma_start3A_186 = arith.constant 2432 : i32
      %dma_start3A_187 = tpu.memref_slice %arg6[%dma_start3A_186] : memref<2560xi32, #tpu.memory_space<vmem>> -> memref<128xi32, #tpu.memory_space<vmem>>
      %dma_start3A_188 = arith.constant 0 : i32
      %dma_start3A_189 = arith.constant 0 : i32
      %dma_start3A_190 = tpu.memref_slice %arg2[%dma_start3A_188, %dma_start3A_189] : memref<195840x32xf32, #tpu.memory_space<hbm>> -> memref<195840x32xf32, #tpu.memory_space<hbm>>
      tpu.enqueue_indirect_dma source(%dma_start3A_190 : memref<195840x32xf32, #tpu.memory_space<hbm>>) target(%dma_start3A_185 : memref<128x32xf32, #tpu.memory_space<vmem>>) offsets(%dma_start3A_187 : memref<128xi32, #tpu.memory_space<vmem>>) semaphore(%arg10 : memref<!tpu.dma_semaphore, #tpu.memory_space<semaphore_mem>>)
      %dma_wait3A = arith.constant 0 : i32
      %dma_wait3A_191 = arith.constant 0 : i32
      %dma_wait3A_192 = tpu.memref_slice %arg8[%dma_wait3A, %dma_wait3A_191] : memref<2560x32xf32, #tpu.memory_space<vmem>> -> memref<128x32xf32, #tpu.memory_space<vmem>>
      %dma_wait3A_193 = arith.constant 0 : i32
      %dma_wait3A_194 = tpu.memref_slice %arg6[%dma_wait3A_193] : memref<2560xi32, #tpu.memory_space<vmem>> -> memref<128xi32, #tpu.memory_space<vmem>>
      %dma_wait3A_195 = arith.constant 0 : i32
      %dma_wait3A_196 = arith.constant 0 : i32
      %dma_wait3A_197 = tpu.memref_slice %arg2[%dma_wait3A_195, %dma_wait3A_196] : memref<195840x32xf32, #tpu.memory_space<hbm>> -> memref<195840x32xf32, #tpu.memory_space<hbm>>
      tpu.wait_indirect_dma semaphore(%arg10 : memref<!tpu.dma_semaphore, #tpu.memory_space<semaphore_mem>>) src(%dma_wait3A_197 : memref<195840x32xf32, #tpu.memory_space<hbm>>) dst(%dma_wait3A_192 : memref<128x32xf32, #tpu.memory_space<vmem>>)
      %dma_wait3A_198 = arith.constant 128 : i32
      %dma_wait3A_199 = arith.constant 0 : i32
      %dma_wait3A_200 = tpu.memref_slice %arg8[%dma_wait3A_198, %dma_wait3A_199] : memref<2560x32xf32, #tpu.memory_space<vmem>> -> memref<128x32xf32, #tpu.memory_space<vmem>>
      %dma_wait3A_201 = arith.constant 128 : i32
      %dma_wait3A_202 = tpu.memref_slice %arg6[%dma_wait3A_201] : memref<2560xi32, #tpu.memory_space<vmem>> -> memref<128xi32, #tpu.memory_space<vmem>>
      %dma_wait3A_203 = arith.constant 0 : i32
      %dma_wait3A_204 = arith.constant 0 : i32
      %dma_wait3A_205 = tpu.memref_slice %arg2[%dma_wait3A_203, %dma_wait3A_204] : memref<195840x32xf32, #tpu.memory_space<hbm>> -> memref<195840x32xf32, #tpu.memory_space<hbm>>
      tpu.wait_indirect_dma semaphore(%arg10 : memref<!tpu.dma_semaphore, #tpu.memory_space<semaphore_mem>>) src(%dma_wait3A_205 : memref<195840x32xf32, #tpu.memory_space<hbm>>) dst(%dma_wait3A_200 : memref<128x32xf32, #tpu.memory_space<vmem>>)
      %dma_wait3A_206 = arith.constant 256 : i32
      %dma_wait3A_207 = arith.constant 0 : i32
      %dma_wait3A_208 = tpu.memref_slice %arg8[%dma_wait3A_206, %dma_wait3A_207] : memref<2560x32xf32, #tpu.memory_space<vmem>> -> memref<128x32xf32, #tpu.memory_space<vmem>>
      %dma_wait3A_209 = arith.constant 256 : i32
      %dma_wait3A_210 = tpu.memref_slice %arg6[%dma_wait3A_209] : memref<2560xi32, #tpu.memory_space<vmem>> -> memref<128xi32, #tpu.memory_space<vmem>>
      %dma_wait3A_211 = arith.constant 0 : i32
      %dma_wait3A_212 = arith.constant 0 : i32
      %dma_wait3A_213 = tpu.memref_slice %arg2[%dma_wait3A_211, %dma_wait3A_212] : memref<195840x32xf32, #tpu.memory_space<hbm>> -> memref<195840x32xf32, #tpu.memory_space<hbm>>
      tpu.wait_indirect_dma semaphore(%arg10 : memref<!tpu.dma_semaphore, #tpu.memory_space<semaphore_mem>>) src(%dma_wait3A_213 : memref<195840x32xf32, #tpu.memory_space<hbm>>) dst(%dma_wait3A_208 : memref<128x32xf32, #tpu.memory_space<vmem>>)
      %dma_wait3A_214 = arith.constant 384 : i32
      %dma_wait3A_215 = arith.constant 0 : i32
      %dma_wait3A_216 = tpu.memref_slice %arg8[%dma_wait3A_214, %dma_wait3A_215] : memref<2560x32xf32, #tpu.memory_space<vmem>> -> memref<128x32xf32, #tpu.memory_space<vmem>>
      %dma_wait3A_217 = arith.constant 384 : i32
      %dma_wait3A_218 = tpu.memref_slice %arg6[%dma_wait3A_217] : memref<2560xi32, #tpu.memory_space<vmem>> -> memref<128xi32, #tpu.memory_space<vmem>>
      %dma_wait3A_219 = arith.constant 0 : i32
      %dma_wait3A_220 = arith.constant 0 : i32
      %dma_wait3A_221 = tpu.memref_slice %arg2[%dma_wait3A_219, %dma_wait3A_220] : memref<195840x32xf32, #tpu.memory_space<hbm>> -> memref<195840x32xf32, #tpu.memory_space<hbm>>
      tpu.wait_indirect_dma semaphore(%arg10 : memref<!tpu.dma_semaphore, #tpu.memory_space<semaphore_mem>>) src(%dma_wait3A_221 : memref<195840x32xf32, #tpu.memory_space<hbm>>) dst(%dma_wait3A_216 : memref<128x32xf32, #tpu.memory_space<vmem>>)
      %dma_wait3A_222 = arith.constant 512 : i32
      %dma_wait3A_223 = arith.constant 0 : i32
      %dma_wait3A_224 = tpu.memref_slice %arg8[%dma_wait3A_222, %dma_wait3A_223] : memref<2560x32xf32, #tpu.memory_space<vmem>> -> memref<128x32xf32, #tpu.memory_space<vmem>>
      %dma_wait3A_225 = arith.constant 512 : i32
      %dma_wait3A_226 = tpu.memref_slice %arg6[%dma_wait3A_225] : memref<2560xi32, #tpu.memory_space<vmem>> -> memref<128xi32, #tpu.memory_space<vmem>>
      %dma_wait3A_227 = arith.constant 0 : i32
      %dma_wait3A_228 = arith.constant 0 : i32
      %dma_wait3A_229 = tpu.memref_slice %arg2[%dma_wait3A_227, %dma_wait3A_228] : memref<195840x32xf32, #tpu.memory_space<hbm>> -> memref<195840x32xf32, #tpu.memory_space<hbm>>
      tpu.wait_indirect_dma semaphore(%arg10 : memref<!tpu.dma_semaphore, #tpu.memory_space<semaphore_mem>>) src(%dma_wait3A_229 : memref<195840x32xf32, #tpu.memory_space<hbm>>) dst(%dma_wait3A_224 : memref<128x32xf32, #tpu.memory_space<vmem>>)
      %dma_wait3A_230 = arith.constant 640 : i32
      %dma_wait3A_231 = arith.constant 0 : i32
      %dma_wait3A_232 = tpu.memref_slice %arg8[%dma_wait3A_230, %dma_wait3A_231] : memref<2560x32xf32, #tpu.memory_space<vmem>> -> memref<128x32xf32, #tpu.memory_space<vmem>>
      %dma_wait3A_233 = arith.constant 640 : i32
      %dma_wait3A_234 = tpu.memref_slice %arg6[%dma_wait3A_233] : memref<2560xi32, #tpu.memory_space<vmem>> -> memref<128xi32, #tpu.memory_space<vmem>>
      %dma_wait3A_235 = arith.constant 0 : i32
      %dma_wait3A_236 = arith.constant 0 : i32
      %dma_wait3A_237 = tpu.memref_slice %arg2[%dma_wait3A_235, %dma_wait3A_236] : memref<195840x32xf32, #tpu.memory_space<hbm>> -> memref<195840x32xf32, #tpu.memory_space<hbm>>
      tpu.wait_indirect_dma semaphore(%arg10 : memref<!tpu.dma_semaphore, #tpu.memory_space<semaphore_mem>>) src(%dma_wait3A_237 : memref<195840x32xf32, #tpu.memory_space<hbm>>) dst(%dma_wait3A_232 : memref<128x32xf32, #tpu.memory_space<vmem>>)
      %dma_wait3A_238 = arith.constant 768 : i32
      %dma_wait3A_239 = arith.constant 0 : i32
      %dma_wait3A_240 = tpu.memref_slice %arg8[%dma_wait3A_238, %dma_wait3A_239] : memref<2560x32xf32, #tpu.memory_space<vmem>> -> memref<128x32xf32, #tpu.memory_space<vmem>>
      %dma_wait3A_241 = arith.constant 768 : i32
      %dma_wait3A_242 = tpu.memref_slice %arg6[%dma_wait3A_241] : memref<2560xi32, #tpu.memory_space<vmem>> -> memref<128xi32, #tpu.memory_space<vmem>>
      %dma_wait3A_243 = arith.constant 0 : i32
      %dma_wait3A_244 = arith.constant 0 : i32
      %dma_wait3A_245 = tpu.memref_slice %arg2[%dma_wait3A_243, %dma_wait3A_244] : memref<195840x32xf32, #tpu.memory_space<hbm>> -> memref<195840x32xf32, #tpu.memory_space<hbm>>
      tpu.wait_indirect_dma semaphore(%arg10 : memref<!tpu.dma_semaphore, #tpu.memory_space<semaphore_mem>>) src(%dma_wait3A_245 : memref<195840x32xf32, #tpu.memory_space<hbm>>) dst(%dma_wait3A_240 : memref<128x32xf32, #tpu.memory_space<vmem>>)
      %dma_wait3A_246 = arith.constant 896 : i32
      %dma_wait3A_247 = arith.constant 0 : i32
      %dma_wait3A_248 = tpu.memref_slice %arg8[%dma_wait3A_246, %dma_wait3A_247] : memref<2560x32xf32, #tpu.memory_space<vmem>> -> memref<128x32xf32, #tpu.memory_space<vmem>>
      %dma_wait3A_249 = arith.constant 896 : i32
      %dma_wait3A_250 = tpu.memref_slice %arg6[%dma_wait3A_249] : memref<2560xi32, #tpu.memory_space<vmem>> -> memref<128xi32, #tpu.memory_space<vmem>>
      %dma_wait3A_251 = arith.constant 0 : i32
      %dma_wait3A_252 = arith.constant 0 : i32
      %dma_wait3A_253 = tpu.memref_slice %arg2[%dma_wait3A_251, %dma_wait3A_252] : memref<195840x32xf32, #tpu.memory_space<hbm>> -> memref<195840x32xf32, #tpu.memory_space<hbm>>
      tpu.wait_indirect_dma semaphore(%arg10 : memref<!tpu.dma_semaphore, #tpu.memory_space<semaphore_mem>>) src(%dma_wait3A_253 : memref<195840x32xf32, #tpu.memory_space<hbm>>) dst(%dma_wait3A_248 : memref<128x32xf32, #tpu.memory_space<vmem>>)
      %dma_wait3A_254 = arith.constant 1024 : i32
      %dma_wait3A_255 = arith.constant 0 : i32
      %dma_wait3A_256 = tpu.memref_slice %arg8[%dma_wait3A_254, %dma_wait3A_255] : memref<2560x32xf32, #tpu.memory_space<vmem>> -> memref<128x32xf32, #tpu.memory_space<vmem>>
      %dma_wait3A_257 = arith.constant 1024 : i32
      %dma_wait3A_258 = tpu.memref_slice %arg6[%dma_wait3A_257] : memref<2560xi32, #tpu.memory_space<vmem>> -> memref<128xi32, #tpu.memory_space<vmem>>
      %dma_wait3A_259 = arith.constant 0 : i32
      %dma_wait3A_260 = arith.constant 0 : i32
      %dma_wait3A_261 = tpu.memref_slice %arg2[%dma_wait3A_259, %dma_wait3A_260] : memref<195840x32xf32, #tpu.memory_space<hbm>> -> memref<195840x32xf32, #tpu.memory_space<hbm>>
      tpu.wait_indirect_dma semaphore(%arg10 : memref<!tpu.dma_semaphore, #tpu.memory_space<semaphore_mem>>) src(%dma_wait3A_261 : memref<195840x32xf32, #tpu.memory_space<hbm>>) dst(%dma_wait3A_256 : memref<128x32xf32, #tpu.memory_space<vmem>>)
      %dma_wait3A_262 = arith.constant 1152 : i32
      %dma_wait3A_263 = arith.constant 0 : i32
      %dma_wait3A_264 = tpu.memref_slice %arg8[%dma_wait3A_262, %dma_wait3A_263] : memref<2560x32xf32, #tpu.memory_space<vmem>> -> memref<128x32xf32, #tpu.memory_space<vmem>>
      %dma_wait3A_265 = arith.constant 1152 : i32
      %dma_wait3A_266 = tpu.memref_slice %arg6[%dma_wait3A_265] : memref<2560xi32, #tpu.memory_space<vmem>> -> memref<128xi32, #tpu.memory_space<vmem>>
      %dma_wait3A_267 = arith.constant 0 : i32
      %dma_wait3A_268 = arith.constant 0 : i32
      %dma_wait3A_269 = tpu.memref_slice %arg2[%dma_wait3A_267, %dma_wait3A_268] : memref<195840x32xf32, #tpu.memory_space<hbm>> -> memref<195840x32xf32, #tpu.memory_space<hbm>>
      tpu.wait_indirect_dma semaphore(%arg10 : memref<!tpu.dma_semaphore, #tpu.memory_space<semaphore_mem>>) src(%dma_wait3A_269 : memref<195840x32xf32, #tpu.memory_space<hbm>>) dst(%dma_wait3A_264 : memref<128x32xf32, #tpu.memory_space<vmem>>)
      %dma_wait3A_270 = arith.constant 1280 : i32
      %dma_wait3A_271 = arith.constant 0 : i32
      %dma_wait3A_272 = tpu.memref_slice %arg8[%dma_wait3A_270, %dma_wait3A_271] : memref<2560x32xf32, #tpu.memory_space<vmem>> -> memref<128x32xf32, #tpu.memory_space<vmem>>
      %dma_wait3A_273 = arith.constant 1280 : i32
      %dma_wait3A_274 = tpu.memref_slice %arg6[%dma_wait3A_273] : memref<2560xi32, #tpu.memory_space<vmem>> -> memref<128xi32, #tpu.memory_space<vmem>>
      %dma_wait3A_275 = arith.constant 0 : i32
      %dma_wait3A_276 = arith.constant 0 : i32
      %dma_wait3A_277 = tpu.memref_slice %arg2[%dma_wait3A_275, %dma_wait3A_276] : memref<195840x32xf32, #tpu.memory_space<hbm>> -> memref<195840x32xf32, #tpu.memory_space<hbm>>
      tpu.wait_indirect_dma semaphore(%arg10 : memref<!tpu.dma_semaphore, #tpu.memory_space<semaphore_mem>>) src(%dma_wait3A_277 : memref<195840x32xf32, #tpu.memory_space<hbm>>) dst(%dma_wait3A_272 : memref<128x32xf32, #tpu.memory_space<vmem>>)
      %dma_wait3A_278 = arith.constant 1408 : i32
      %dma_wait3A_279 = arith.constant 0 : i32
      %dma_wait3A_280 = tpu.memref_slice %arg8[%dma_wait3A_278, %dma_wait3A_279] : memref<2560x32xf32, #tpu.memory_space<vmem>> -> memref<128x32xf32, #tpu.memory_space<vmem>>
      %dma_wait3A_281 = arith.constant 1408 : i32
      %dma_wait3A_282 = tpu.memref_slice %arg6[%dma_wait3A_281] : memref<2560xi32, #tpu.memory_space<vmem>> -> memref<128xi32, #tpu.memory_space<vmem>>
      %dma_wait3A_283 = arith.constant 0 : i32
      %dma_wait3A_284 = arith.constant 0 : i32
      %dma_wait3A_285 = tpu.memref_slice %arg2[%dma_wait3A_283, %dma_wait3A_284] : memref<195840x32xf32, #tpu.memory_space<hbm>> -> memref<195840x32xf32, #tpu.memory_space<hbm>>
      tpu.wait_indirect_dma semaphore(%arg10 : memref<!tpu.dma_semaphore, #tpu.memory_space<semaphore_mem>>) src(%dma_wait3A_285 : memref<195840x32xf32, #tpu.memory_space<hbm>>) dst(%dma_wait3A_280 : memref<128x32xf32, #tpu.memory_space<vmem>>)
      %dma_wait3A_286 = arith.constant 1536 : i32
      %dma_wait3A_287 = arith.constant 0 : i32
      %dma_wait3A_288 = tpu.memref_slice %arg8[%dma_wait3A_286, %dma_wait3A_287] : memref<2560x32xf32, #tpu.memory_space<vmem>> -> memref<128x32xf32, #tpu.memory_space<vmem>>
      %dma_wait3A_289 = arith.constant 1536 : i32
      %dma_wait3A_290 = tpu.memref_slice %arg6[%dma_wait3A_289] : memref<2560xi32, #tpu.memory_space<vmem>> -> memref<128xi32, #tpu.memory_space<vmem>>
      %dma_wait3A_291 = arith.constant 0 : i32
      %dma_wait3A_292 = arith.constant 0 : i32
      %dma_wait3A_293 = tpu.memref_slice %arg2[%dma_wait3A_291, %dma_wait3A_292] : memref<195840x32xf32, #tpu.memory_space<hbm>> -> memref<195840x32xf32, #tpu.memory_space<hbm>>
      tpu.wait_indirect_dma semaphore(%arg10 : memref<!tpu.dma_semaphore, #tpu.memory_space<semaphore_mem>>) src(%dma_wait3A_293 : memref<195840x32xf32, #tpu.memory_space<hbm>>) dst(%dma_wait3A_288 : memref<128x32xf32, #tpu.memory_space<vmem>>)
      %dma_wait3A_294 = arith.constant 1664 : i32
      %dma_wait3A_295 = arith.constant 0 : i32
      %dma_wait3A_296 = tpu.memref_slice %arg8[%dma_wait3A_294, %dma_wait3A_295] : memref<2560x32xf32, #tpu.memory_space<vmem>> -> memref<128x32xf32, #tpu.memory_space<vmem>>
      %dma_wait3A_297 = arith.constant 1664 : i32
      %dma_wait3A_298 = tpu.memref_slice %arg6[%dma_wait3A_297] : memref<2560xi32, #tpu.memory_space<vmem>> -> memref<128xi32, #tpu.memory_space<vmem>>
      %dma_wait3A_299 = arith.constant 0 : i32
      %dma_wait3A_300 = arith.constant 0 : i32
      %dma_wait3A_301 = tpu.memref_slice %arg2[%dma_wait3A_299, %dma_wait3A_300] : memref<195840x32xf32, #tpu.memory_space<hbm>> -> memref<195840x32xf32, #tpu.memory_space<hbm>>
      tpu.wait_indirect_dma semaphore(%arg10 : memref<!tpu.dma_semaphore, #tpu.memory_space<semaphore_mem>>) src(%dma_wait3A_301 : memref<195840x32xf32, #tpu.memory_space<hbm>>) dst(%dma_wait3A_296 : memref<128x32xf32, #tpu.memory_space<vmem>>)
      %dma_wait3A_302 = arith.constant 1792 : i32
      %dma_wait3A_303 = arith.constant 0 : i32
      %dma_wait3A_304 = tpu.memref_slice %arg8[%dma_wait3A_302, %dma_wait3A_303] : memref<2560x32xf32, #tpu.memory_space<vmem>> -> memref<128x32xf32, #tpu.memory_space<vmem>>
      %dma_wait3A_305 = arith.constant 1792 : i32
      %dma_wait3A_306 = tpu.memref_slice %arg6[%dma_wait3A_305] : memref<2560xi32, #tpu.memory_space<vmem>> -> memref<128xi32, #tpu.memory_space<vmem>>
      %dma_wait3A_307 = arith.constant 0 : i32
      %dma_wait3A_308 = arith.constant 0 : i32
      %dma_wait3A_309 = tpu.memref_slice %arg2[%dma_wait3A_307, %dma_wait3A_308] : memref<195840x32xf32, #tpu.memory_space<hbm>> -> memref<195840x32xf32, #tpu.memory_space<hbm>>
      tpu.wait_indirect_dma semaphore(%arg10 : memref<!tpu.dma_semaphore, #tpu.memory_space<semaphore_mem>>) src(%dma_wait3A_309 : memref<195840x32xf32, #tpu.memory_space<hbm>>) dst(%dma_wait3A_304 : memref<128x32xf32, #tpu.memory_space<vmem>>)
      %dma_wait3A_310 = arith.constant 1920 : i32
      %dma_wait3A_311 = arith.constant 0 : i32
      %dma_wait3A_312 = tpu.memref_slice %arg8[%dma_wait3A_310, %dma_wait3A_311] : memref<2560x32xf32, #tpu.memory_space<vmem>> -> memref<128x32xf32, #tpu.memory_space<vmem>>
      %dma_wait3A_313 = arith.constant 1920 : i32
      %dma_wait3A_314 = tpu.memref_slice %arg6[%dma_wait3A_313] : memref<2560xi32, #tpu.memory_space<vmem>> -> memref<128xi32, #tpu.memory_space<vmem>>
      %dma_wait3A_315 = arith.constant 0 : i32
      %dma_wait3A_316 = arith.constant 0 : i32
      %dma_wait3A_317 = tpu.memref_slice %arg2[%dma_wait3A_315, %dma_wait3A_316] : memref<195840x32xf32, #tpu.memory_space<hbm>> -> memref<195840x32xf32, #tpu.memory_space<hbm>>
      tpu.wait_indirect_dma semaphore(%arg10 : memref<!tpu.dma_semaphore, #tpu.memory_space<semaphore_mem>>) src(%dma_wait3A_317 : memref<195840x32xf32, #tpu.memory_space<hbm>>) dst(%dma_wait3A_312 : memref<128x32xf32, #tpu.memory_space<vmem>>)
      %dma_wait3A_318 = arith.constant 2048 : i32
      %dma_wait3A_319 = arith.constant 0 : i32
      %dma_wait3A_320 = tpu.memref_slice %arg8[%dma_wait3A_318, %dma_wait3A_319] : memref<2560x32xf32, #tpu.memory_space<vmem>> -> memref<128x32xf32, #tpu.memory_space<vmem>>
      %dma_wait3A_321 = arith.constant 2048 : i32
      %dma_wait3A_322 = tpu.memref_slice %arg6[%dma_wait3A_321] : memref<2560xi32, #tpu.memory_space<vmem>> -> memref<128xi32, #tpu.memory_space<vmem>>
      %dma_wait3A_323 = arith.constant 0 : i32
      %dma_wait3A_324 = arith.constant 0 : i32
      %dma_wait3A_325 = tpu.memref_slice %arg2[%dma_wait3A_323, %dma_wait3A_324] : memref<195840x32xf32, #tpu.memory_space<hbm>> -> memref<195840x32xf32, #tpu.memory_space<hbm>>
      tpu.wait_indirect_dma semaphore(%arg10 : memref<!tpu.dma_semaphore, #tpu.memory_space<semaphore_mem>>) src(%dma_wait3A_325 : memref<195840x32xf32, #tpu.memory_space<hbm>>) dst(%dma_wait3A_320 : memref<128x32xf32, #tpu.memory_space<vmem>>)
      %dma_wait3A_326 = arith.constant 2176 : i32
      %dma_wait3A_327 = arith.constant 0 : i32
      %dma_wait3A_328 = tpu.memref_slice %arg8[%dma_wait3A_326, %dma_wait3A_327] : memref<2560x32xf32, #tpu.memory_space<vmem>> -> memref<128x32xf32, #tpu.memory_space<vmem>>
      %dma_wait3A_329 = arith.constant 2176 : i32
      %dma_wait3A_330 = tpu.memref_slice %arg6[%dma_wait3A_329] : memref<2560xi32, #tpu.memory_space<vmem>> -> memref<128xi32, #tpu.memory_space<vmem>>
      %dma_wait3A_331 = arith.constant 0 : i32
      %dma_wait3A_332 = arith.constant 0 : i32
      %dma_wait3A_333 = tpu.memref_slice %arg2[%dma_wait3A_331, %dma_wait3A_332] : memref<195840x32xf32, #tpu.memory_space<hbm>> -> memref<195840x32xf32, #tpu.memory_space<hbm>>
      tpu.wait_indirect_dma semaphore(%arg10 : memref<!tpu.dma_semaphore, #tpu.memory_space<semaphore_mem>>) src(%dma_wait3A_333 : memref<195840x32xf32, #tpu.memory_space<hbm>>) dst(%dma_wait3A_328 : memref<128x32xf32, #tpu.memory_space<vmem>>)
      %dma_wait3A_334 = arith.constant 2304 : i32
      %dma_wait3A_335 = arith.constant 0 : i32
      %dma_wait3A_336 = tpu.memref_slice %arg8[%dma_wait3A_334, %dma_wait3A_335] : memref<2560x32xf32, #tpu.memory_space<vmem>> -> memref<128x32xf32, #tpu.memory_space<vmem>>
      %dma_wait3A_337 = arith.constant 2304 : i32
      %dma_wait3A_338 = tpu.memref_slice %arg6[%dma_wait3A_337] : memref<2560xi32, #tpu.memory_space<vmem>> -> memref<128xi32, #tpu.memory_space<vmem>>
      %dma_wait3A_339 = arith.constant 0 : i32
      %dma_wait3A_340 = arith.constant 0 : i32
      %dma_wait3A_341 = tpu.memref_slice %arg2[%dma_wait3A_339, %dma_wait3A_340] : memref<195840x32xf32, #tpu.memory_space<hbm>> -> memref<195840x32xf32, #tpu.memory_space<hbm>>
      tpu.wait_indirect_dma semaphore(%arg10 : memref<!tpu.dma_semaphore, #tpu.memory_space<semaphore_mem>>) src(%dma_wait3A_341 : memref<195840x32xf32, #tpu.memory_space<hbm>>) dst(%dma_wait3A_336 : memref<128x32xf32, #tpu.memory_space<vmem>>)
      %dma_wait3A_342 = arith.constant 2432 : i32
      %dma_wait3A_343 = arith.constant 0 : i32
      %dma_wait3A_344 = tpu.memref_slice %arg8[%dma_wait3A_342, %dma_wait3A_343] : memref<2560x32xf32, #tpu.memory_space<vmem>> -> memref<128x32xf32, #tpu.memory_space<vmem>>
      %dma_wait3A_345 = arith.constant 2432 : i32
      %dma_wait3A_346 = tpu.memref_slice %arg6[%dma_wait3A_345] : memref<2560xi32, #tpu.memory_space<vmem>> -> memref<128xi32, #tpu.memory_space<vmem>>
      %dma_wait3A_347 = arith.constant 0 : i32
      %dma_wait3A_348 = arith.constant 0 : i32
      %dma_wait3A_349 = tpu.memref_slice %arg2[%dma_wait3A_347, %dma_wait3A_348] : memref<195840x32xf32, #tpu.memory_space<hbm>> -> memref<195840x32xf32, #tpu.memory_space<hbm>>
      tpu.wait_indirect_dma semaphore(%arg10 : memref<!tpu.dma_semaphore, #tpu.memory_space<semaphore_mem>>) src(%dma_wait3A_349 : memref<195840x32xf32, #tpu.memory_space<hbm>>) dst(%dma_wait3A_344 : memref<128x32xf32, #tpu.memory_space<vmem>>)
      %scan3A_350 = arith.constant 0 : i32
      %scan3A_351 = arith.constant 0 : i32
      %scan3A_352 = arith.constant 40 : i32
      %scan3A_353 = arith.addi %scan3A_351, %scan3A_352 : i32
      %scan3A_354 = arith.constant 1 : i32
      scf.for %scan3A_361 = %scan3A_351 to %scan3A_353 step %scan3A_354  : i32 {
        %jit3A = arith.constant 8 : i32
        %div3A = arith.divsi %scan3A_361, %jit3A : i32
        %sign3A = arith.constant 0 : i32
        %sign3A_362 = arith.cmpi sgt, %scan3A_361, %sign3A : i32
        %sign3A_363 = arith.extui %sign3A_362 : i1 to i32
        %sign3A_364 = arith.constant 0 : i32
        %sign3A_365 = arith.cmpi slt, %scan3A_361, %sign3A_364 : i32
        %sign3A_366 = arith.extui %sign3A_365 : i1 to i32
        %sign3A_367 = arith.subi %sign3A_363, %sign3A_366 : i32
        %sign3A_368 = arith.constant 0 : i32
        %sign3A_369 = arith.cmpi sgt, %jit3A, %sign3A_368 : i32
        %sign3A_370 = arith.extui %sign3A_369 : i1 to i32
        %sign3A_371 = arith.constant 0 : i32
        %sign3A_372 = arith.cmpi slt, %jit3A, %sign3A_371 : i32
        %sign3A_373 = arith.extui %sign3A_372 : i1 to i32
        %sign3A_374 = arith.subi %sign3A_370, %sign3A_373 : i32
        %ne3A = arith.cmpi ne, %sign3A_367, %sign3A_374 : i32
        %rem3A = arith.remsi %scan3A_361, %jit3A : i32
        %ne3A_375 = arith.constant 0 : i32
        %ne3A_376 = arith.cmpi ne, %rem3A, %ne3A_375 : i32
        %and3A = arith.andi %ne3A, %ne3A_376 : i1
        %sub3A = arith.constant 1 : i32
        %sub3A_377 = arith.subi %div3A, %sub3A : i32
        %select_n3A = arith.select %and3A, %sub3A_377, %div3A : i32
        %jit3A_378 = arith.constant 8 : i32
        %eq3A = arith.constant 0 : i32
        %eq3A_379 = arith.cmpi eq, %jit3A_378, %eq3A : i32
        %jit3A_380 = arith.constant 1 : i32
        %select_n3A_381 = arith.select %eq3A_379, %jit3A_380, %jit3A_378 : i32
        %rem3A_382 = arith.remsi %scan3A_361, %select_n3A_381 : i32
        %ne3A_383 = arith.constant 0 : i32
        %ne3A_384 = arith.cmpi ne, %rem3A_382, %ne3A_383 : i32
        %lt3A = arith.constant 0 : i32
        %lt3A_385 = arith.cmpi slt, %rem3A_382, %lt3A : i32
        %lt3A_386 = arith.constant 0 : i32
        %lt3A_387 = arith.cmpi slt, %select_n3A_381, %lt3A_386 : i32
        %ne3A_388 = arith.xori %lt3A_385, %lt3A_387 : i1
        %and3A_389 = arith.andi %ne3A_388, %ne3A_384 : i1
        %add3A_390 = arith.addi %rem3A_382, %select_n3A_381 : i32
        %select_n3A_391 = arith.select %and3A_389, %add3A_390, %rem3A_382 : i32
        %broadcast_in_dim3A = arith.constant 0.000000e+00 : f32
        %broadcast_in_dim3A_392 = vector.broadcast %broadcast_in_dim3A : f32 to vector<16xf32>
        %scan3A_393 = arith.constant 0 : i32
        %scan3A_394 = arith.constant 64 : i32
        %scan3A_395 = arith.addi %scan3A_393, %scan3A_394 : i32
        %scan3A_396 = arith.constant 1 : i32
        %scan3A_397:2 = scf.for %scan3A_410 = %scan3A_393 to %scan3A_395 step %scan3A_396 iter_args(%scan3A_411 = %broadcast_in_dim3A_392, %scan3A_412 = %broadcast_in_dim3A_392) -> (vector<16xf32>, vector<16xf32>)  : i32 {
          %jit3A_413 = arith.constant 16 : i32
          %div3A_414 = arith.divsi %scan3A_410, %jit3A_413 : i32
          %sign3A_415 = arith.constant 0 : i32
          %sign3A_416 = arith.cmpi sgt, %scan3A_410, %sign3A_415 : i32
          %sign3A_417 = arith.extui %sign3A_416 : i1 to i32
          %sign3A_418 = arith.constant 0 : i32
          %sign3A_419 = arith.cmpi slt, %scan3A_410, %sign3A_418 : i32
          %sign3A_420 = arith.extui %sign3A_419 : i1 to i32
          %sign3A_421 = arith.subi %sign3A_417, %sign3A_420 : i32
          %sign3A_422 = arith.constant 0 : i32
          %sign3A_423 = arith.cmpi sgt, %jit3A_413, %sign3A_422 : i32
          %sign3A_424 = arith.extui %sign3A_423 : i1 to i32
          %sign3A_425 = arith.constant 0 : i32
          %sign3A_426 = arith.cmpi slt, %jit3A_413, %sign3A_425 : i32
          %sign3A_427 = arith.extui %sign3A_426 : i1 to i32
          %sign3A_428 = arith.subi %sign3A_424, %sign3A_427 : i32
          %ne3A_429 = arith.cmpi ne, %sign3A_421, %sign3A_428 : i32
          %rem3A_430 = arith.remsi %scan3A_410, %jit3A_413 : i32
          %ne3A_431 = arith.constant 0 : i32
          %ne3A_432 = arith.cmpi ne, %rem3A_430, %ne3A_431 : i32
          %and3A_433 = arith.andi %ne3A_429, %ne3A_432 : i1
          %sub3A_434 = arith.constant 1 : i32
          %sub3A_435 = arith.subi %div3A_414, %sub3A_434 : i32
          %select_n3A_436 = arith.select %and3A_433, %sub3A_435, %div3A_414 : i32
          %jit3A_437 = arith.constant 16 : i32
          %eq3A_438 = arith.constant 0 : i32
          %eq3A_439 = arith.cmpi eq, %jit3A_437, %eq3A_438 : i32
          %jit3A_440 = arith.constant 1 : i32
          %select_n3A_441 = arith.select %eq3A_439, %jit3A_440, %jit3A_437 : i32
          %rem3A_442 = arith.remsi %scan3A_410, %select_n3A_441 : i32
          %ne3A_443 = arith.constant 0 : i32
          %ne3A_444 = arith.cmpi ne, %rem3A_442, %ne3A_443 : i32
          %lt3A_445 = arith.constant 0 : i32
          %lt3A_446 = arith.cmpi slt, %rem3A_442, %lt3A_445 : i32
          %lt3A_447 = arith.constant 0 : i32
          %lt3A_448 = arith.cmpi slt, %select_n3A_441, %lt3A_447 : i32
          %ne3A_449 = arith.xori %lt3A_446, %lt3A_448 : i1
          %and3A_450 = arith.andi %ne3A_449, %ne3A_444 : i1
          %add3A_451 = arith.addi %rem3A_442, %select_n3A_441 : i32
          %select_n3A_452 = arith.select %and3A_450, %add3A_451, %rem3A_442 : i32
          %mul3A_453 = arith.constant 5 : i32
          %mul3A_454 = arith.muli %select_n3A_436, %mul3A_453 : i32
          %add3A_455 = arith.addi %mul3A_454, %select_n3A : i32
          %mul3A_456 = arith.constant 128 : i32
          %mul3A_457 = arith.muli %add3A_455, %mul3A_456 : i32
          %mul3A_458 = arith.constant 16 : i32
          %mul3A_459 = arith.muli %select_n3A_391, %mul3A_458 : i32
          %add3A_460 = arith.addi %mul3A_457, %mul3A_459 : i32
          %add3A_461 = arith.addi %add3A_460, %select_n3A_452 : i32
          %broadcast_in_dim3A_462 = vector.broadcast %add3A_461 : i32 to vector<16xi32>
          %gather3A = tpu.vector_load_idx %arg7[%broadcast_in_dim3A_462] : memref<2560xf32, #tpu.memory_space<vmem>>[vector<16xi32>], vector<16xf32>,
          %broadcast_in_dim3A_463 = vector.broadcast %add3A_461 : i32 to vector<16xi32>
          %gather3A_464 = tpu.vector_load_idx %arg8[%broadcast_in_dim3A_463, %iota3A] : memref<2560x32xf32, #tpu.memory_space<vmem>>[vector<16xi32>, vector<16xi32>], vector<16xf32>,
          %add3A_465 = arith.constant 16 : i32
          %add3A_466 = vector.broadcast %add3A_465 : i32 to vector<16xi32>
          %add3A_467 = arith.addi %iota3A, %add3A_466 : vector<16xi32>
          %gather3A_468 = tpu.vector_load_idx %arg8[%broadcast_in_dim3A_463, %add3A_467] : memref<2560x32xf32, #tpu.memory_space<vmem>>[vector<16xi32>, vector<16xi32>], vector<16xf32>,
          %mul3A_469 = arith.mulf %gather3A, %gather3A_464 : vector<16xf32>
          %add3A_470 = arith.addf %scan3A_411, %mul3A_469 : vector<16xf32>
          %mul3A_471 = arith.mulf %gather3A, %gather3A_468 : vector<16xf32>
          %add3A_472 = arith.addf %scan3A_412, %mul3A_471 : vector<16xf32>
          scf.yield %add3A_470, %add3A_472 : vector<16xf32>, vector<16xf32>
        }
        %scan3A_398 = arith.constant 64 : i32
        %mul3A_399 = arith.constant 256 : i32
        %mul3A_400 = arith.muli %select_n3A, %mul3A_399 : i32
        %mul3A_401 = arith.constant 32 : i32
        %mul3A_402 = arith.muli %select_n3A_391, %mul3A_401 : i32
        %add3A_403 = arith.addi %mul3A_400, %mul3A_402 : i32
        %add3A_404 = vector.broadcast %add3A_403 : i32 to vector<16xi32>
        %add3A_405 = arith.addi %add3A_404, %iota3A : vector<16xi32>
        tpu.vector_store_idx %arg9[%add3A_405], %scan3A_397#0 : memref<1280xf32, #tpu.memory_space<vmem>>[vector<16xi32>], vector<16xf32>,
        %add3A_406 = arith.constant 16 : i32
        %add3A_407 = arith.addi %add3A_403, %add3A_406 : i32
        %add3A_408 = vector.broadcast %add3A_407 : i32 to vector<16xi32>
        %add3A_409 = arith.addi %add3A_408, %iota3A : vector<16xi32>
        tpu.vector_store_idx %arg9[%add3A_409], %scan3A_397#1 : memref<1280xf32, #tpu.memory_space<vmem>>[vector<16xi32>], vector<16xf32>,
      }
      %scan3A_355 = arith.constant 40 : i32
      %mul3A_356 = arith.constant 12240 : i32
      %mul3A_357 = arith.muli %arg0, %mul3A_356 : i32
      %add3A_358 = arith.addi %mul3A_357, %add3A : i32
      %mul3A_359 = arith.constant 256 : i32
      %mul3A_360 = arith.muli %add3A_358, %mul3A_359 : i32
      "tpu.region"() ({
        %run_scoped3A = tpu.sem_alloc : memref<!tpu.dma_semaphore, #tpu.memory_space<semaphore_mem>>
        %dma_start3A_361 = tpu.memref_slice %arg5[%mul3A_360] : memref<6266880xf32, #tpu.memory_space<hbm>> -> memref<1280xf32, #tpu.memory_space<hbm>>
        %dma_start3A_362 = tpu.memref_slice %arg5[%mul3A_360] : memref<6266880xf32, #tpu.memory_space<hbm>> -> memref<1280xf32, #tpu.memory_space<hbm>>
        tpu.enqueue_dma source(%arg9 : memref<1280xf32, #tpu.memory_space<vmem>>) target(%dma_start3A_362 : memref<1280xf32, #tpu.memory_space<hbm>>) target_semaphore(%run_scoped3A : memref<!tpu.dma_semaphore, #tpu.memory_space<semaphore_mem>>)
        %dma_wait3A_363 = tpu.memref_slice %arg5[%mul3A_360] : memref<6266880xf32, #tpu.memory_space<hbm>> -> memref<1280xf32, #tpu.memory_space<hbm>>
        %dma_wait3A_364 = tpu.memref_slice %arg5[%mul3A_360] : memref<6266880xf32, #tpu.memory_space<hbm>> -> memref<1280xf32, #tpu.memory_space<hbm>>
        tpu.wait_dma2 semaphore(%run_scoped3A : memref<!tpu.dma_semaphore, #tpu.memory_space<semaphore_mem>>) src(%arg9 : memref<1280xf32, #tpu.memory_space<vmem>>) dst(%dma_wait3A_364 : memref<1280xf32, #tpu.memory_space<hbm>>)
        tpu.yield
      }) : () -> ()
    }
    %scan3A_4 = arith.constant 153 : i32
    return
  }
}

module attributes {stable_mosaic.version = 14 : i64} {
  func.func @_stage_a(%arg0: i32, %arg1: i32, %arg2: memref<1x240x256xf32, #tpu.memory_space<vmem>>, %arg3: memref<1x240x256xf32, #tpu.memory_space<vmem>>, %arg4: memref<1x240x8xf32, #tpu.memory_space<vmem>>, %arg5: memref<256x128xf32, #tpu.memory_space<vmem>>, %arg6: memref<256x128xf32, #tpu.memory_space<vmem>>, %arg7: memref<1x128xf32, #tpu.memory_space<vmem>>, %arg8: memref<1x128xf32, #tpu.memory_space<vmem>>, %arg9: memref<256x128xf32, #tpu.memory_space<vmem>>, %arg10: memref<1x128xf32, #tpu.memory_space<vmem>>, %arg11: memref<256x256xf32, #tpu.memory_space<vmem>>, %arg12: memref<1x256xf32, #tpu.memory_space<vmem>>, %arg13: memref<8x128xf32, #tpu.memory_space<vmem>>, %arg14: memref<8x128xf32, #tpu.memory_space<vmem>>, %arg15: memref<1x128xf32, #tpu.memory_space<vmem>>, %arg16: memref<1x128xi32, #tpu.memory_space<vmem>>, %arg17: memref<1x128xi32, #tpu.memory_space<vmem>>, %arg18: memref<1x128xi32, #tpu.memory_space<vmem>>, %arg19: memref<128x128xf32, #tpu.memory_space<vmem>>, %arg20: memref<1x4x240x128xi32, #tpu.memory_space<vmem>>, %arg21: memref<1x4x240x128xf32, #tpu.memory_space<vmem>>, %arg22: memref<1x240x256xf32, #tpu.memory_space<vmem>>) attributes {dimension_semantics = [#tpu.dimension_semantics<arbitrary>, #tpu.dimension_semantics<arbitrary>], iteration_bounds = array<i64: 2, 51>, scalar_prefetch = 0 : i64, scratch_operands = 0 : i64, tpu.core_type = #tpu.core_type<tc>, window_params = [{transform_indices = @transform_0, window_bounds = array<i64: 1, 240, 256>}, {transform_indices = @transform_1, window_bounds = array<i64: 1, 240, 256>}, {transform_indices = @transform_2, window_bounds = array<i64: 1, 240, 8>}, {pipeline_mode = #tpu.pipeline_mode<synchronous>, transform_indices = @transform_3, window_bounds = array<i64: 256, 128>}, {pipeline_mode = #tpu.pipeline_mode<synchronous>, transform_indices = @transform_4, window_bounds = array<i64: 256, 128>}, {pipeline_mode = #tpu.pipeline_mode<synchronous>, transform_indices = @transform_5, window_bounds = array<i64: 1, 128>}, {pipeline_mode = #tpu.pipeline_mode<synchronous>, transform_indices = @transform_6, window_bounds = array<i64: 1, 128>}, {pipeline_mode = #tpu.pipeline_mode<synchronous>, transform_indices = @transform_7, window_bounds = array<i64: 256, 128>}, {pipeline_mode = #tpu.pipeline_mode<synchronous>, transform_indices = @transform_8, window_bounds = array<i64: 1, 128>}, {pipeline_mode = #tpu.pipeline_mode<synchronous>, transform_indices = @transform_9, window_bounds = array<i64: 256, 256>}, {pipeline_mode = #tpu.pipeline_mode<synchronous>, transform_indices = @transform_10, window_bounds = array<i64: 1, 256>}, {pipeline_mode = #tpu.pipeline_mode<synchronous>, transform_indices = @transform_11, window_bounds = array<i64: 8, 128>}, {pipeline_mode = #tpu.pipeline_mode<synchronous>, transform_indices = @transform_12, window_bounds = array<i64: 8, 128>}, {pipeline_mode = #tpu.pipeline_mode<synchronous>, transform_indices = @transform_13, window_bounds = array<i64: 1, 128>}, {pipeline_mode = #tpu.pipeline_mode<synchronous>, transform_indices = @transform_14, window_bounds = array<i64: 1, 128>}, {pipeline_mode = #tpu.pipeline_mode<synchronous>, transform_indices = @transform_15, window_bounds = array<i64: 1, 128>}, {pipeline_mode = #tpu.pipeline_mode<synchronous>, transform_indices = @transform_16, window_bounds = array<i64: 1, 128>}, {pipeline_mode = #tpu.pipeline_mode<synchronous>, transform_indices = @transform_17, window_bounds = array<i64: 128, 128>}, {transform_indices = @transform_18, window_bounds = array<i64: 1, 4, 240, 128>}, {transform_indices = @transform_19, window_bounds = array<i64: 1, 4, 240, 128>}, {transform_indices = @transform_20, window_bounds = array<i64: 1, 240, 256>}]} {
    %get3A = arith.constant 0 : index
    %get3A_0 = arith.constant 0 : index
    %get3A_1 = arith.constant 0 : index
    %get3A_2 = vector.load %arg2[%get3A, %get3A_0, %get3A_1] : memref<1x240x256xf32, #tpu.memory_space<vmem>>, vector<1x240x256xf32>
    %get3A_3 = vector.shape_cast %get3A_2 : vector<1x240x256xf32> to vector<240x256xf32>
    %get3A_4 = arith.constant 0 : index
    %get3A_5 = arith.constant 0 : index
    %get3A_6 = vector.load %arg5[%get3A_4, %get3A_5] : memref<256x128xf32, #tpu.memory_space<vmem>>, vector<256x128xf32>
    %dot_general3A = arith.constant dense<0.000000e+00> : vector<240x128xf32>
    %dot_general3A_7 = tpu.matmul %get3A_3, %get3A_6, %dot_general3A {dimension_numbers = #tpu.dot_dimension_numbers<[1], [0], [0], [1], [0, 0, 1, 1], [], []>, precision = #tpu.contract_precision<fp32>, transpose_lhs_hint = false} : vector<240x256xf32>, vector<256x128xf32>, vector<240x128xf32> -> vector<240x128xf32>
    %get3A_8 = arith.constant 0 : index
    %get3A_9 = arith.constant 0 : index
    %get3A_10 = vector.load %arg7[%get3A_8, %get3A_9] : memref<1x128xf32, #tpu.memory_space<vmem>>, vector<1x128xf32>
    %add3A = vector.broadcast %get3A_10 : vector<1x128xf32> to vector<240x128xf32>
    %add3A_11 = arith.addf %dot_general3A_7, %add3A : vector<240x128xf32>
    %get3A_12 = arith.constant 0 : index
    %get3A_13 = arith.constant 0 : index
    %get3A_14 = vector.load %arg6[%get3A_12, %get3A_13] : memref<256x128xf32, #tpu.memory_space<vmem>>, vector<256x128xf32>
    %dot_general3A_15 = arith.constant dense<0.000000e+00> : vector<240x128xf32>
    %dot_general3A_16 = tpu.matmul %get3A_3, %get3A_14, %dot_general3A_15 {dimension_numbers = #tpu.dot_dimension_numbers<[1], [0], [0], [1], [0, 0, 1, 1], [], []>, precision = #tpu.contract_precision<fp32>, transpose_lhs_hint = false} : vector<240x256xf32>, vector<256x128xf32>, vector<240x128xf32> -> vector<240x128xf32>
    %get3A_17 = arith.constant 0 : index
    %get3A_18 = arith.constant 0 : index
    %get3A_19 = vector.load %arg8[%get3A_17, %get3A_18] : memref<1x128xf32, #tpu.memory_space<vmem>>, vector<1x128xf32>
    %add3A_20 = vector.broadcast %get3A_19 : vector<1x128xf32> to vector<240x128xf32>
    %add3A_21 = arith.addf %dot_general3A_16, %add3A_20 : vector<240x128xf32>
    %get3A_22 = arith.constant 0 : index
    %get3A_23 = arith.constant 0 : index
    %get3A_24 = vector.load %arg9[%get3A_22, %get3A_23] : memref<256x128xf32, #tpu.memory_space<vmem>>, vector<256x128xf32>
    %dot_general3A_25 = arith.constant dense<0.000000e+00> : vector<240x128xf32>
    %dot_general3A_26 = tpu.matmul %get3A_3, %get3A_24, %dot_general3A_25 {dimension_numbers = #tpu.dot_dimension_numbers<[1], [0], [0], [1], [0, 0, 1, 1], [], []>, precision = #tpu.contract_precision<fp32>, transpose_lhs_hint = false} : vector<240x256xf32>, vector<256x128xf32>, vector<240x128xf32> -> vector<240x128xf32>
    %get3A_27 = arith.constant 0 : index
    %get3A_28 = arith.constant 0 : index
    %get3A_29 = vector.load %arg10[%get3A_27, %get3A_28] : memref<1x128xf32, #tpu.memory_space<vmem>>, vector<1x128xf32>
    %add3A_30 = vector.broadcast %get3A_29 : vector<1x128xf32> to vector<240x128xf32>
    %add3A_31 = arith.addf %dot_general3A_26, %add3A_30 : vector<240x128xf32>
    %exp3A = math.exp %add3A_31 : vector<240x128xf32>
    %get3A_32 = arith.constant 0 : index
    %get3A_33 = arith.constant 0 : index
    %get3A_34 = vector.load %arg19[%get3A_32, %get3A_33] : memref<128x128xf32, #tpu.memory_space<vmem>>, vector<128x128xf32>
    %dot_general3A_35 = arith.constant dense<0.000000e+00> : vector<240x128xf32>
    %dot_general3A_36 = tpu.matmul %exp3A, %get3A_34, %dot_general3A_35 {dimension_numbers = #tpu.dot_dimension_numbers<[1], [0], [0], [1], [0, 0, 1, 1], [], []>, precision = #tpu.contract_precision<fp32>, transpose_lhs_hint = false} : vector<240x128xf32>, vector<128x128xf32>, vector<240x128xf32> -> vector<240x128xf32>
    %div3A = arith.divf %exp3A, %dot_general3A_36 : vector<240x128xf32>
    %get3A_37 = arith.constant 0 : index
    %get3A_38 = arith.constant 0 : index
    %get3A_39 = arith.constant 0 : index
    %get3A_40 = vector.load %arg4[%get3A_37, %get3A_38, %get3A_39] : memref<1x240x8xf32, #tpu.memory_space<vmem>>, vector<1x240x8xf32>
    %get3A_41 = vector.shape_cast %get3A_40 : vector<1x240x8xf32> to vector<240x8xf32>
    %get3A_42 = arith.constant 0 : index
    %get3A_43 = arith.constant 0 : index
    %get3A_44 = vector.load %arg13[%get3A_42, %get3A_43] : memref<8x128xf32, #tpu.memory_space<vmem>>, vector<8x128xf32>
    %dot_general3A_45 = arith.constant dense<0.000000e+00> : vector<240x128xf32>
    %dot_general3A_46 = tpu.matmul %get3A_41, %get3A_44, %dot_general3A_45 {dimension_numbers = #tpu.dot_dimension_numbers<[1], [0], [0], [1], [0, 0, 1, 1], [], []>, precision = #tpu.contract_precision<fp32>, transpose_lhs_hint = false} : vector<240x8xf32>, vector<8x128xf32>, vector<240x128xf32> -> vector<240x128xf32>
    %get3A_47 = arith.constant 0 : index
    %get3A_48 = arith.constant 0 : index
    %get3A_49 = vector.load %arg14[%get3A_47, %get3A_48] : memref<8x128xf32, #tpu.memory_space<vmem>>, vector<8x128xf32>
    %dot_general3A_50 = arith.constant dense<0.000000e+00> : vector<240x128xf32>
    %dot_general3A_51 = tpu.matmul %get3A_41, %get3A_49, %dot_general3A_50 {dimension_numbers = #tpu.dot_dimension_numbers<[1], [0], [0], [1], [0, 0, 1, 1], [], []>, precision = #tpu.contract_precision<fp32>, transpose_lhs_hint = false} : vector<240x8xf32>, vector<8x128xf32>, vector<240x128xf32> -> vector<240x128xf32>
    %get3A_52 = arith.constant 0 : index
    %get3A_53 = arith.constant 0 : index
    %get3A_54 = vector.load %arg15[%get3A_52, %get3A_53] : memref<1x128xf32, #tpu.memory_space<vmem>>, vector<1x128xf32>
    %div3A_55 = vector.broadcast %get3A_54 : vector<1x128xf32> to vector<240x128xf32>
    %div3A_56 = arith.divf %add3A_11, %div3A_55 : vector<240x128xf32>
    %add3A_57 = arith.addf %dot_general3A_46, %div3A_56 : vector<240x128xf32>
    %mul3A = arith.constant 2.000000e+00 : f32
    %mul3A_58 = vector.broadcast %mul3A : f32 to vector<240x128xf32>
    %mul3A_59 = arith.mulf %mul3A_58, %add3A_57 : vector<240x128xf32>
    %sub3A = arith.constant 1.000000e+00 : f32
    %sub3A_60 = vector.broadcast %sub3A : f32 to vector<240x128xf32>
    %sub3A_61 = arith.subf %mul3A_59, %sub3A_60 : vector<240x128xf32>
    %div3A_62 = vector.broadcast %get3A_54 : vector<1x128xf32> to vector<240x128xf32>
    %div3A_63 = arith.divf %add3A_21, %div3A_62 : vector<240x128xf32>
    %add3A_64 = arith.addf %dot_general3A_51, %div3A_63 : vector<240x128xf32>
    %mul3A_65 = arith.constant 2.000000e+00 : f32
    %mul3A_66 = vector.broadcast %mul3A_65 : f32 to vector<240x128xf32>
    %mul3A_67 = arith.mulf %mul3A_66, %add3A_64 : vector<240x128xf32>
    %sub3A_68 = arith.constant 1.000000e+00 : f32
    %sub3A_69 = vector.broadcast %sub3A_68 : f32 to vector<240x128xf32>
    %sub3A_70 = arith.subf %mul3A_67, %sub3A_69 : vector<240x128xf32>
    %add3A_71 = arith.constant 1.000000e+00 : f32
    %add3A_72 = vector.broadcast %add3A_71 : f32 to vector<240x128xf32>
    %add3A_73 = arith.addf %sub3A_61, %add3A_72 : vector<240x128xf32>
    %mul3A_74 = vector.broadcast %get3A_54 : vector<1x128xf32> to vector<240x128xf32>
    %mul3A_75 = arith.mulf %add3A_73, %mul3A_74 : vector<240x128xf32>
    %div3A_76 = arith.constant 2.000000e+00 : f32
    %div3A_77 = vector.broadcast %div3A_76 : f32 to vector<240x128xf32>
    %div3A_78 = arith.divf %mul3A_75, %div3A_77 : vector<240x128xf32>
    %sub3A_79 = arith.constant 5.000000e-01 : f32
    %sub3A_80 = vector.broadcast %sub3A_79 : f32 to vector<240x128xf32>
    %sub3A_81 = arith.subf %div3A_78, %sub3A_80 : vector<240x128xf32>
    %add3A_82 = arith.constant 1.000000e+00 : f32
    %add3A_83 = vector.broadcast %add3A_82 : f32 to vector<240x128xf32>
    %add3A_84 = arith.addf %sub3A_70, %add3A_83 : vector<240x128xf32>
    %mul3A_85 = vector.broadcast %get3A_54 : vector<1x128xf32> to vector<240x128xf32>
    %mul3A_86 = arith.mulf %add3A_84, %mul3A_85 : vector<240x128xf32>
    %div3A_87 = arith.constant 2.000000e+00 : f32
    %div3A_88 = vector.broadcast %div3A_87 : f32 to vector<240x128xf32>
    %div3A_89 = arith.divf %mul3A_86, %div3A_88 : vector<240x128xf32>
    %sub3A_90 = arith.constant 5.000000e-01 : f32
    %sub3A_91 = vector.broadcast %sub3A_90 : f32 to vector<240x128xf32>
    %sub3A_92 = arith.subf %div3A_89, %sub3A_91 : vector<240x128xf32>
    %floor3A = math.floor %sub3A_81 : vector<240x128xf32>
    %floor3A_93 = math.floor %sub3A_92 : vector<240x128xf32>
    %sub3A_94 = arith.subf %sub3A_81, %floor3A : vector<240x128xf32>
    %sub3A_95 = arith.subf %sub3A_92, %floor3A_93 : vector<240x128xf32>
    %sub3A_96 = arith.constant 1.000000e+00 : f32
    %sub3A_97 = vector.broadcast %sub3A_96 : f32 to vector<1x128xf32>
    %sub3A_98 = arith.subf %get3A_54, %sub3A_97 : vector<1x128xf32>
    %get3A_99 = arith.constant 0 : index
    %get3A_100 = arith.constant 0 : index
    %get3A_101 = vector.load %arg16[%get3A_99, %get3A_100] : memref<1x128xi32, #tpu.memory_space<vmem>>, vector<1x128xi32>
    %get3A_102 = arith.constant 0 : index
    %get3A_103 = arith.constant 0 : index
    %get3A_104 = vector.load %arg17[%get3A_102, %get3A_103] : memref<1x128xi32, #tpu.memory_space<vmem>>, vector<1x128xi32>
    %get3A_105 = arith.constant 0 : index
    %get3A_106 = arith.constant 0 : index
    %get3A_107 = vector.load %arg18[%get3A_105, %get3A_106] : memref<1x128xi32, #tpu.memory_space<vmem>>, vector<1x128xi32>
    %mul3A_108 = arith.constant 12240 : i32
    %mul3A_109 = arith.muli %arg0, %mul3A_108 : i32
    %sub3A_110 = arith.constant 1.000000e+00 : f32
    %sub3A_111 = vector.broadcast %sub3A_110 : f32 to vector<240x128xf32>
    %sub3A_112 = arith.subf %sub3A_111, %sub3A_94 : vector<240x128xf32>
    %sub3A_113 = arith.constant 1.000000e+00 : f32
    %sub3A_114 = vector.broadcast %sub3A_113 : f32 to vector<240x128xf32>
    %sub3A_115 = arith.subf %sub3A_114, %sub3A_95 : vector<240x128xf32>
    %mul3A_116 = arith.mulf %sub3A_112, %sub3A_115 : vector<240x128xf32>
    %ge3A = arith.constant 0.000000e+00 : f32
    %ge3A_117 = vector.broadcast %ge3A : f32 to vector<240x128xf32>
    %ge3A_118 = arith.cmpf oge, %floor3A, %ge3A_117 : vector<240x128xf32>
    %le3A = vector.broadcast %sub3A_98 : vector<1x128xf32> to vector<240x128xf32>
    %le3A_119 = arith.cmpf ole, %floor3A, %le3A : vector<240x128xf32>
    %and3A = arith.andi %ge3A_118, %le3A_119 : vector<240x128xi1>
    %ge3A_120 = arith.constant 0.000000e+00 : f32
    %ge3A_121 = vector.broadcast %ge3A_120 : f32 to vector<240x128xf32>
    %ge3A_122 = arith.cmpf oge, %floor3A_93, %ge3A_121 : vector<240x128xf32>
    %and3A_123 = arith.andi %and3A, %ge3A_122 : vector<240x128xi1>
    %le3A_124 = vector.broadcast %sub3A_98 : vector<1x128xf32> to vector<240x128xf32>
    %le3A_125 = arith.cmpf ole, %floor3A_93, %le3A_124 : vector<240x128xf32>
    %and3A_126 = arith.andi %and3A_123, %le3A_125 : vector<240x128xi1>
    %jit3A = arith.constant 0.000000e+00 : f32
    %max3A = vector.broadcast %jit3A : f32 to vector<240x128xf32>
    %max3A_127 = arith.maximumf %max3A, %floor3A : vector<240x128xf32>
    %min3A = vector.broadcast %sub3A_98 : vector<1x128xf32> to vector<240x128xf32>
    %min3A_128 = arith.minimumf %min3A, %max3A_127 : vector<240x128xf32>
    %convert_element_type3A = arith.fptosi %min3A_128 : vector<240x128xf32> to vector<240x128xi32>
    %jit3A_129 = arith.constant 0.000000e+00 : f32
    %max3A_130 = vector.broadcast %jit3A_129 : f32 to vector<240x128xf32>
    %max3A_131 = arith.maximumf %max3A_130, %floor3A_93 : vector<240x128xf32>
    %min3A_132 = vector.broadcast %sub3A_98 : vector<1x128xf32> to vector<240x128xf32>
    %min3A_133 = arith.minimumf %min3A_132, %max3A_131 : vector<240x128xf32>
    %convert_element_type3A_134 = arith.fptosi %min3A_133 : vector<240x128xf32> to vector<240x128xi32>
    %mul3A_135 = vector.broadcast %get3A_101 : vector<1x128xi32> to vector<240x128xi32>
    %mul3A_136 = arith.muli %convert_element_type3A_134, %mul3A_135 : vector<240x128xi32>
    %add3A_137 = arith.addi %mul3A_136, %convert_element_type3A : vector<240x128xi32>
    %add3A_138 = vector.broadcast %get3A_104 : vector<1x128xi32> to vector<240x128xi32>
    %add3A_139 = arith.addi %add3A_137, %add3A_138 : vector<240x128xi32>
    %add3A_140 = vector.broadcast %mul3A_109 : i32 to vector<240x128xi32>
    %add3A_141 = arith.addi %add3A_139, %add3A_140 : vector<240x128xi32>
    %mul3A_142 = arith.constant 8 : i32
    %mul3A_143 = vector.broadcast %mul3A_142 : i32 to vector<240x128xi32>
    %mul3A_144 = arith.muli %add3A_141, %mul3A_143 : vector<240x128xi32>
    %add3A_145 = vector.broadcast %get3A_107 : vector<1x128xi32> to vector<240x128xi32>
    %add3A_146 = arith.addi %mul3A_144, %add3A_145 : vector<240x128xi32>
    %mul3A_147 = arith.mulf %div3A, %mul3A_116 : vector<240x128xf32>
    %convert_element_type3A_148 = arith.extui %and3A_126 : vector<240x128xi1> to vector<240x128xi32>
    %convert_element_type3A_149 = arith.sitofp %convert_element_type3A_148 : vector<240x128xi32> to vector<240x128xf32>
    %mul3A_150 = arith.mulf %mul3A_147, %convert_element_type3A_149 : vector<240x128xf32>
    %add3A_151 = arith.constant 1.000000e+00 : f32
    %add3A_152 = vector.broadcast %add3A_151 : f32 to vector<240x128xf32>
    %add3A_153 = arith.addf %floor3A, %add3A_152 : vector<240x128xf32>
    %sub3A_154 = arith.constant 1.000000e+00 : f32
    %sub3A_155 = vector.broadcast %sub3A_154 : f32 to vector<240x128xf32>
    %sub3A_156 = arith.subf %sub3A_155, %sub3A_95 : vector<240x128xf32>
    %mul3A_157 = arith.mulf %sub3A_94, %sub3A_156 : vector<240x128xf32>
    %ge3A_158 = arith.constant 0.000000e+00 : f32
    %ge3A_159 = vector.broadcast %ge3A_158 : f32 to vector<240x128xf32>
    %ge3A_160 = arith.cmpf oge, %add3A_153, %ge3A_159 : vector<240x128xf32>
    %le3A_161 = vector.broadcast %sub3A_98 : vector<1x128xf32> to vector<240x128xf32>
    %le3A_162 = arith.cmpf ole, %add3A_153, %le3A_161 : vector<240x128xf32>
    %and3A_163 = arith.andi %ge3A_160, %le3A_162 : vector<240x128xi1>
    %ge3A_164 = arith.constant 0.000000e+00 : f32
    %ge3A_165 = vector.broadcast %ge3A_164 : f32 to vector<240x128xf32>
    %ge3A_166 = arith.cmpf oge, %floor3A_93, %ge3A_165 : vector<240x128xf32>
    %and3A_167 = arith.andi %and3A_163, %ge3A_166 : vector<240x128xi1>
    %le3A_168 = vector.broadcast %sub3A_98 : vector<1x128xf32> to vector<240x128xf32>
    %le3A_169 = arith.cmpf ole, %floor3A_93, %le3A_168 : vector<240x128xf32>
    %and3A_170 = arith.andi %and3A_167, %le3A_169 : vector<240x128xi1>
    %jit3A_171 = arith.constant 0.000000e+00 : f32
    %max3A_172 = vector.broadcast %jit3A_171 : f32 to vector<240x128xf32>
    %max3A_173 = arith.maximumf %max3A_172, %add3A_153 : vector<240x128xf32>
    %min3A_174 = vector.broadcast %sub3A_98 : vector<1x128xf32> to vector<240x128xf32>
    %min3A_175 = arith.minimumf %min3A_174, %max3A_173 : vector<240x128xf32>
    %convert_element_type3A_176 = arith.fptosi %min3A_175 : vector<240x128xf32> to vector<240x128xi32>
    %jit3A_177 = arith.constant 0.000000e+00 : f32
    %max3A_178 = vector.broadcast %jit3A_177 : f32 to vector<240x128xf32>
    %max3A_179 = arith.maximumf %max3A_178, %floor3A_93 : vector<240x128xf32>
    %min3A_180 = vector.broadcast %sub3A_98 : vector<1x128xf32> to vector<240x128xf32>
    %min3A_181 = arith.minimumf %min3A_180, %max3A_179 : vector<240x128xf32>
    %convert_element_type3A_182 = arith.fptosi %min3A_181 : vector<240x128xf32> to vector<240x128xi32>
    %mul3A_183 = vector.broadcast %get3A_101 : vector<1x128xi32> to vector<240x128xi32>
    %mul3A_184 = arith.muli %convert_element_type3A_182, %mul3A_183 : vector<240x128xi32>
    %add3A_185 = arith.addi %mul3A_184, %convert_element_type3A_176 : vector<240x128xi32>
    %add3A_186 = vector.broadcast %get3A_104 : vector<1x128xi32> to vector<240x128xi32>
    %add3A_187 = arith.addi %add3A_185, %add3A_186 : vector<240x128xi32>
    %add3A_188 = vector.broadcast %mul3A_109 : i32 to vector<240x128xi32>
    %add3A_189 = arith.addi %add3A_187, %add3A_188 : vector<240x128xi32>
    %mul3A_190 = arith.constant 8 : i32
    %mul3A_191 = vector.broadcast %mul3A_190 : i32 to vector<240x128xi32>
    %mul3A_192 = arith.muli %add3A_189, %mul3A_191 : vector<240x128xi32>
    %add3A_193 = vector.broadcast %get3A_107 : vector<1x128xi32> to vector<240x128xi32>
    %add3A_194 = arith.addi %mul3A_192, %add3A_193 : vector<240x128xi32>
    %mul3A_195 = arith.mulf %div3A, %mul3A_157 : vector<240x128xf32>
    %convert_element_type3A_196 = arith.extui %and3A_170 : vector<240x128xi1> to vector<240x128xi32>
    %convert_element_type3A_197 = arith.sitofp %convert_element_type3A_196 : vector<240x128xi32> to vector<240x128xf32>
    %mul3A_198 = arith.mulf %mul3A_195, %convert_element_type3A_197 : vector<240x128xf32>
    %add3A_199 = arith.constant 1.000000e+00 : f32
    %add3A_200 = vector.broadcast %add3A_199 : f32 to vector<240x128xf32>
    %add3A_201 = arith.addf %floor3A_93, %add3A_200 : vector<240x128xf32>
    %sub3A_202 = arith.constant 1.000000e+00 : f32
    %sub3A_203 = vector.broadcast %sub3A_202 : f32 to vector<240x128xf32>
    %sub3A_204 = arith.subf %sub3A_203, %sub3A_94 : vector<240x128xf32>
    %mul3A_205 = arith.mulf %sub3A_204, %sub3A_95 : vector<240x128xf32>
    %ge3A_206 = arith.constant 0.000000e+00 : f32
    %ge3A_207 = vector.broadcast %ge3A_206 : f32 to vector<240x128xf32>
    %ge3A_208 = arith.cmpf oge, %floor3A, %ge3A_207 : vector<240x128xf32>
    %le3A_209 = vector.broadcast %sub3A_98 : vector<1x128xf32> to vector<240x128xf32>
    %le3A_210 = arith.cmpf ole, %floor3A, %le3A_209 : vector<240x128xf32>
    %and3A_211 = arith.andi %ge3A_208, %le3A_210 : vector<240x128xi1>
    %ge3A_212 = arith.constant 0.000000e+00 : f32
    %ge3A_213 = vector.broadcast %ge3A_212 : f32 to vector<240x128xf32>
    %ge3A_214 = arith.cmpf oge, %add3A_201, %ge3A_213 : vector<240x128xf32>
    %and3A_215 = arith.andi %and3A_211, %ge3A_214 : vector<240x128xi1>
    %le3A_216 = vector.broadcast %sub3A_98 : vector<1x128xf32> to vector<240x128xf32>
    %le3A_217 = arith.cmpf ole, %add3A_201, %le3A_216 : vector<240x128xf32>
    %and3A_218 = arith.andi %and3A_215, %le3A_217 : vector<240x128xi1>
    %jit3A_219 = arith.constant 0.000000e+00 : f32
    %max3A_220 = vector.broadcast %jit3A_219 : f32 to vector<240x128xf32>
    %max3A_221 = arith.maximumf %max3A_220, %floor3A : vector<240x128xf32>
    %min3A_222 = vector.broadcast %sub3A_98 : vector<1x128xf32> to vector<240x128xf32>
    %min3A_223 = arith.minimumf %min3A_222, %max3A_221 : vector<240x128xf32>
    %convert_element_type3A_224 = arith.fptosi %min3A_223 : vector<240x128xf32> to vector<240x128xi32>
    %jit3A_225 = arith.constant 0.000000e+00 : f32
    %max3A_226 = vector.broadcast %jit3A_225 : f32 to vector<240x128xf32>
    %max3A_227 = arith.maximumf %max3A_226, %add3A_201 : vector<240x128xf32>
    %min3A_228 = vector.broadcast %sub3A_98 : vector<1x128xf32> to vector<240x128xf32>
    %min3A_229 = arith.minimumf %min3A_228, %max3A_227 : vector<240x128xf32>
    %convert_element_type3A_230 = arith.fptosi %min3A_229 : vector<240x128xf32> to vector<240x128xi32>
    %mul3A_231 = vector.broadcast %get3A_101 : vector<1x128xi32> to vector<240x128xi32>
    %mul3A_232 = arith.muli %convert_element_type3A_230, %mul3A_231 : vector<240x128xi32>
    %add3A_233 = arith.addi %mul3A_232, %convert_element_type3A_224 : vector<240x128xi32>
    %add3A_234 = vector.broadcast %get3A_104 : vector<1x128xi32> to vector<240x128xi32>
    %add3A_235 = arith.addi %add3A_233, %add3A_234 : vector<240x128xi32>
    %add3A_236 = vector.broadcast %mul3A_109 : i32 to vector<240x128xi32>
    %add3A_237 = arith.addi %add3A_235, %add3A_236 : vector<240x128xi32>
    %mul3A_238 = arith.constant 8 : i32
    %mul3A_239 = vector.broadcast %mul3A_238 : i32 to vector<240x128xi32>
    %mul3A_240 = arith.muli %add3A_237, %mul3A_239 : vector<240x128xi32>
    %add3A_241 = vector.broadcast %get3A_107 : vector<1x128xi32> to vector<240x128xi32>
    %add3A_242 = arith.addi %mul3A_240, %add3A_241 : vector<240x128xi32>
    %mul3A_243 = arith.mulf %div3A, %mul3A_205 : vector<240x128xf32>
    %convert_element_type3A_244 = arith.extui %and3A_218 : vector<240x128xi1> to vector<240x128xi32>
    %convert_element_type3A_245 = arith.sitofp %convert_element_type3A_244 : vector<240x128xi32> to vector<240x128xf32>
    %mul3A_246 = arith.mulf %mul3A_243, %convert_element_type3A_245 : vector<240x128xf32>
    %add3A_247 = arith.constant 1.000000e+00 : f32
    %add3A_248 = vector.broadcast %add3A_247 : f32 to vector<240x128xf32>
    %add3A_249 = arith.addf %floor3A, %add3A_248 : vector<240x128xf32>
    %add3A_250 = arith.constant 1.000000e+00 : f32
    %add3A_251 = vector.broadcast %add3A_250 : f32 to vector<240x128xf32>
    %add3A_252 = arith.addf %floor3A_93, %add3A_251 : vector<240x128xf32>
    %mul3A_253 = arith.mulf %sub3A_94, %sub3A_95 : vector<240x128xf32>
    %ge3A_254 = arith.constant 0.000000e+00 : f32
    %ge3A_255 = vector.broadcast %ge3A_254 : f32 to vector<240x128xf32>
    %ge3A_256 = arith.cmpf oge, %add3A_249, %ge3A_255 : vector<240x128xf32>
    %le3A_257 = vector.broadcast %sub3A_98 : vector<1x128xf32> to vector<240x128xf32>
    %le3A_258 = arith.cmpf ole, %add3A_249, %le3A_257 : vector<240x128xf32>
    %and3A_259 = arith.andi %ge3A_256, %le3A_258 : vector<240x128xi1>
    %ge3A_260 = arith.constant 0.000000e+00 : f32
    %ge3A_261 = vector.broadcast %ge3A_260 : f32 to vector<240x128xf32>
    %ge3A_262 = arith.cmpf oge, %add3A_252, %ge3A_261 : vector<240x128xf32>
    %and3A_263 = arith.andi %and3A_259, %ge3A_262 : vector<240x128xi1>
    %le3A_264 = vector.broadcast %sub3A_98 : vector<1x128xf32> to vector<240x128xf32>
    %le3A_265 = arith.cmpf ole, %add3A_252, %le3A_264 : vector<240x128xf32>
    %and3A_266 = arith.andi %and3A_263, %le3A_265 : vector<240x128xi1>
    %jit3A_267 = arith.constant 0.000000e+00 : f32
    %max3A_268 = vector.broadcast %jit3A_267 : f32 to vector<240x128xf32>
    %max3A_269 = arith.maximumf %max3A_268, %add3A_249 : vector<240x128xf32>
    %min3A_270 = vector.broadcast %sub3A_98 : vector<1x128xf32> to vector<240x128xf32>
    %min3A_271 = arith.minimumf %min3A_270, %max3A_269 : vector<240x128xf32>
    %convert_element_type3A_272 = arith.fptosi %min3A_271 : vector<240x128xf32> to vector<240x128xi32>
    %jit3A_273 = arith.constant 0.000000e+00 : f32
    %max3A_274 = vector.broadcast %jit3A_273 : f32 to vector<240x128xf32>
    %max3A_275 = arith.maximumf %max3A_274, %add3A_252 : vector<240x128xf32>
    %min3A_276 = vector.broadcast %sub3A_98 : vector<1x128xf32> to vector<240x128xf32>
    %min3A_277 = arith.minimumf %min3A_276, %max3A_275 : vector<240x128xf32>
    %convert_element_type3A_278 = arith.fptosi %min3A_277 : vector<240x128xf32> to vector<240x128xi32>
    %mul3A_279 = vector.broadcast %get3A_101 : vector<1x128xi32> to vector<240x128xi32>
    %mul3A_280 = arith.muli %convert_element_type3A_278, %mul3A_279 : vector<240x128xi32>
    %add3A_281 = arith.addi %mul3A_280, %convert_element_type3A_272 : vector<240x128xi32>
    %add3A_282 = vector.broadcast %get3A_104 : vector<1x128xi32> to vector<240x128xi32>
    %add3A_283 = arith.addi %add3A_281, %add3A_282 : vector<240x128xi32>
    %add3A_284 = vector.broadcast %mul3A_109 : i32 to vector<240x128xi32>
    %add3A_285 = arith.addi %add3A_283, %add3A_284 : vector<240x128xi32>
    %mul3A_286 = arith.constant 8 : i32
    %mul3A_287 = vector.broadcast %mul3A_286 : i32 to vector<240x128xi32>
    %mul3A_288 = arith.muli %add3A_285, %mul3A_287 : vector<240x128xi32>
    %add3A_289 = vector.broadcast %get3A_107 : vector<1x128xi32> to vector<240x128xi32>
    %add3A_290 = arith.addi %mul3A_288, %add3A_289 : vector<240x128xi32>
    %mul3A_291 = arith.mulf %div3A, %mul3A_253 : vector<240x128xf32>
    %convert_element_type3A_292 = arith.extui %and3A_266 : vector<240x128xi1> to vector<240x128xi32>
    %convert_element_type3A_293 = arith.sitofp %convert_element_type3A_292 : vector<240x128xi32> to vector<240x128xf32>
    %mul3A_294 = arith.mulf %mul3A_291, %convert_element_type3A_293 : vector<240x128xf32>
    %swap3A = arith.constant 0 : index
    %swap3A_295 = arith.constant 0 : index
    %swap3A_296 = arith.constant 0 : index
    %swap3A_297 = arith.constant 0 : index
    %swap3A_298 = vector.load %arg20[%swap3A, %swap3A_295, %swap3A_296, %swap3A_297] : memref<1x4x240x128xi32, #tpu.memory_space<vmem>>, vector<1x1x240x128xi32>
    %swap3A_299 = vector.shape_cast %swap3A_298 : vector<1x1x240x128xi32> to vector<240x128xi32>
    %swap3A_300 = vector.shape_cast %add3A_146 : vector<240x128xi32> to vector<1x1x240x128xi32>
    tpu.vector_store %arg20[%swap3A, %swap3A_295, %swap3A_296, %swap3A_297], %swap3A_300 {strides = array<i32>} : memref<1x4x240x128xi32, #tpu.memory_space<vmem>>, vector<1x1x240x128xi32>,
    %swap3A_301 = arith.constant 0 : index
    %swap3A_302 = arith.constant 1 : index
    %swap3A_303 = arith.constant 0 : index
    %swap3A_304 = arith.constant 0 : index
    %swap3A_305 = vector.load %arg20[%swap3A_301, %swap3A_302, %swap3A_303, %swap3A_304] : memref<1x4x240x128xi32, #tpu.memory_space<vmem>>, vector<1x1x240x128xi32>
    %swap3A_306 = vector.shape_cast %swap3A_305 : vector<1x1x240x128xi32> to vector<240x128xi32>
    %swap3A_307 = vector.shape_cast %add3A_194 : vector<240x128xi32> to vector<1x1x240x128xi32>
    tpu.vector_store %arg20[%swap3A_301, %swap3A_302, %swap3A_303, %swap3A_304], %swap3A_307 {strides = array<i32>} : memref<1x4x240x128xi32, #tpu.memory_space<vmem>>, vector<1x1x240x128xi32>,
    %swap3A_308 = arith.constant 0 : index
    %swap3A_309 = arith.constant 2 : index
    %swap3A_310 = arith.constant 0 : index
    %swap3A_311 = arith.constant 0 : index
    %swap3A_312 = vector.load %arg20[%swap3A_308, %swap3A_309, %swap3A_310, %swap3A_311] : memref<1x4x240x128xi32, #tpu.memory_space<vmem>>, vector<1x1x240x128xi32>
    %swap3A_313 = vector.shape_cast %swap3A_312 : vector<1x1x240x128xi32> to vector<240x128xi32>
    %swap3A_314 = vector.shape_cast %add3A_242 : vector<240x128xi32> to vector<1x1x240x128xi32>
    tpu.vector_store %arg20[%swap3A_308, %swap3A_309, %swap3A_310, %swap3A_311], %swap3A_314 {strides = array<i32>} : memref<1x4x240x128xi32, #tpu.memory_space<vmem>>, vector<1x1x240x128xi32>,
    %swap3A_315 = arith.constant 0 : index
    %swap3A_316 = arith.constant 3 : index
    %swap3A_317 = arith.constant 0 : index
    %swap3A_318 = arith.constant 0 : index
    %swap3A_319 = vector.load %arg20[%swap3A_315, %swap3A_316, %swap3A_317, %swap3A_318] : memref<1x4x240x128xi32, #tpu.memory_space<vmem>>, vector<1x1x240x128xi32>
    %swap3A_320 = vector.shape_cast %swap3A_319 : vector<1x1x240x128xi32> to vector<240x128xi32>
    %swap3A_321 = vector.shape_cast %add3A_290 : vector<240x128xi32> to vector<1x1x240x128xi32>
    tpu.vector_store %arg20[%swap3A_315, %swap3A_316, %swap3A_317, %swap3A_318], %swap3A_321 {strides = array<i32>} : memref<1x4x240x128xi32, #tpu.memory_space<vmem>>, vector<1x1x240x128xi32>,
    %swap3A_322 = arith.constant 0 : index
    %swap3A_323 = arith.constant 0 : index
    %swap3A_324 = arith.constant 0 : index
    %swap3A_325 = arith.constant 0 : index
    %swap3A_326 = vector.load %arg21[%swap3A_322, %swap3A_323, %swap3A_324, %swap3A_325] : memref<1x4x240x128xf32, #tpu.memory_space<vmem>>, vector<1x1x240x128xf32>
    %swap3A_327 = vector.shape_cast %swap3A_326 : vector<1x1x240x128xf32> to vector<240x128xf32>
    %swap3A_328 = vector.shape_cast %mul3A_150 : vector<240x128xf32> to vector<1x1x240x128xf32>
    tpu.vector_store %arg21[%swap3A_322, %swap3A_323, %swap3A_324, %swap3A_325], %swap3A_328 {strides = array<i32>} : memref<1x4x240x128xf32, #tpu.memory_space<vmem>>, vector<1x1x240x128xf32>,
    %swap3A_329 = arith.constant 0 : index
    %swap3A_330 = arith.constant 1 : index
    %swap3A_331 = arith.constant 0 : index
    %swap3A_332 = arith.constant 0 : index
    %swap3A_333 = vector.load %arg21[%swap3A_329, %swap3A_330, %swap3A_331, %swap3A_332] : memref<1x4x240x128xf32, #tpu.memory_space<vmem>>, vector<1x1x240x128xf32>
    %swap3A_334 = vector.shape_cast %swap3A_333 : vector<1x1x240x128xf32> to vector<240x128xf32>
    %swap3A_335 = vector.shape_cast %mul3A_198 : vector<240x128xf32> to vector<1x1x240x128xf32>
    tpu.vector_store %arg21[%swap3A_329, %swap3A_330, %swap3A_331, %swap3A_332], %swap3A_335 {strides = array<i32>} : memref<1x4x240x128xf32, #tpu.memory_space<vmem>>, vector<1x1x240x128xf32>,
    %swap3A_336 = arith.constant 0 : index
    %swap3A_337 = arith.constant 2 : index
    %swap3A_338 = arith.constant 0 : index
    %swap3A_339 = arith.constant 0 : index
    %swap3A_340 = vector.load %arg21[%swap3A_336, %swap3A_337, %swap3A_338, %swap3A_339] : memref<1x4x240x128xf32, #tpu.memory_space<vmem>>, vector<1x1x240x128xf32>
    %swap3A_341 = vector.shape_cast %swap3A_340 : vector<1x1x240x128xf32> to vector<240x128xf32>
    %swap3A_342 = vector.shape_cast %mul3A_246 : vector<240x128xf32> to vector<1x1x240x128xf32>
    tpu.vector_store %arg21[%swap3A_336, %swap3A_337, %swap3A_338, %swap3A_339], %swap3A_342 {strides = array<i32>} : memref<1x4x240x128xf32, #tpu.memory_space<vmem>>, vector<1x1x240x128xf32>,
    %swap3A_343 = arith.constant 0 : index
    %swap3A_344 = arith.constant 3 : index
    %swap3A_345 = arith.constant 0 : index
    %swap3A_346 = arith.constant 0 : index
    %swap3A_347 = vector.load %arg21[%swap3A_343, %swap3A_344, %swap3A_345, %swap3A_346] : memref<1x4x240x128xf32, #tpu.memory_space<vmem>>, vector<1x1x240x128xf32>
    %swap3A_348 = vector.shape_cast %swap3A_347 : vector<1x1x240x128xf32> to vector<240x128xf32>
    %swap3A_349 = vector.shape_cast %mul3A_294 : vector<240x128xf32> to vector<1x1x240x128xf32>
    tpu.vector_store %arg21[%swap3A_343, %swap3A_344, %swap3A_345, %swap3A_346], %swap3A_349 {strides = array<i32>} : memref<1x4x240x128xf32, #tpu.memory_space<vmem>>, vector<1x1x240x128xf32>,
    %get3A_350 = arith.constant 0 : index
    %get3A_351 = arith.constant 0 : index
    %get3A_352 = arith.constant 0 : index
    %get3A_353 = vector.load %arg3[%get3A_350, %get3A_351, %get3A_352] : memref<1x240x256xf32, #tpu.memory_space<vmem>>, vector<1x240x256xf32>
    %get3A_354 = vector.shape_cast %get3A_353 : vector<1x240x256xf32> to vector<240x256xf32>
    %get3A_355 = arith.constant 0 : index
    %get3A_356 = arith.constant 0 : index
    %get3A_357 = vector.load %arg11[%get3A_355, %get3A_356] : memref<256x256xf32, #tpu.memory_space<vmem>>, vector<256x256xf32>
    %dot_general3A_358 = arith.constant dense<0.000000e+00> : vector<240x256xf32>
    %dot_general3A_359 = tpu.matmul %get3A_354, %get3A_357, %dot_general3A_358 {dimension_numbers = #tpu.dot_dimension_numbers<[1], [0], [0], [1], [0, 0, 1, 1], [], []>, precision = #tpu.contract_precision<fp32>, transpose_lhs_hint = false} : vector<240x256xf32>, vector<256x256xf32>, vector<240x256xf32> -> vector<240x256xf32>
    %get3A_360 = arith.constant 0 : index
    %get3A_361 = arith.constant 0 : index
    %get3A_362 = vector.load %arg12[%get3A_360, %get3A_361] : memref<1x256xf32, #tpu.memory_space<vmem>>, vector<1x256xf32>
    %add3A_363 = vector.broadcast %get3A_362 : vector<1x256xf32> to vector<240x256xf32>
    %add3A_364 = arith.addf %dot_general3A_359, %add3A_363 : vector<240x256xf32>
    %swap3A_365 = arith.constant 0 : index
    %swap3A_366 = arith.constant 0 : index
    %swap3A_367 = arith.constant 0 : index
    %swap3A_368 = vector.load %arg22[%swap3A_365, %swap3A_366, %swap3A_367] : memref<1x240x256xf32, #tpu.memory_space<vmem>>, vector<1x240x256xf32>
    %swap3A_369 = vector.shape_cast %swap3A_368 : vector<1x240x256xf32> to vector<240x256xf32>
    %swap3A_370 = vector.shape_cast %add3A_364 : vector<240x256xf32> to vector<1x240x256xf32>
    tpu.vector_store %arg22[%swap3A_365, %swap3A_366, %swap3A_367], %swap3A_370 {strides = array<i32>} : memref<1x240x256xf32, #tpu.memory_space<vmem>>, vector<1x240x256xf32>,
    return
  }
  func.func @transform_0(%arg0: i32, %arg1: i32) -> (i32, i32, i32) {
    %c0_i32 = arith.constant 0 : i32
    %c0_i32_0 = arith.constant 0 : i32
    return %arg0, %arg1, %c0_i32 : i32, i32, i32
  }
  func.func @transform_1(%arg0: i32, %arg1: i32) -> (i32, i32, i32) {
    %c0_i32 = arith.constant 0 : i32
    %c0_i32_0 = arith.constant 0 : i32
    return %arg0, %arg1, %c0_i32 : i32, i32, i32
  }
  func.func @transform_2(%arg0: i32, %arg1: i32) -> (i32, i32, i32) {
    %c0_i32 = arith.constant 0 : i32
    %c0_i32_0 = arith.constant 0 : i32
    return %arg0, %arg1, %c0_i32 : i32, i32, i32
  }
  func.func @transform_3(%arg0: i32, %arg1: i32) -> (i32, i32) {
    %c0_i32 = arith.constant 0 : i32
    %c0_i32_0 = arith.constant 0 : i32
    %c0_i32_1 = arith.constant 0 : i32
    return %c0_i32, %c0_i32_0 : i32, i32
  }
  func.func @transform_4(%arg0: i32, %arg1: i32) -> (i32, i32) {
    %c0_i32 = arith.constant 0 : i32
    %c0_i32_0 = arith.constant 0 : i32
    %c0_i32_1 = arith.constant 0 : i32
    return %c0_i32, %c0_i32_0 : i32, i32
  }
  func.func @transform_5(%arg0: i32, %arg1: i32) -> (i32, i32) {
    %c0_i32 = arith.constant 0 : i32
    %c0_i32_0 = arith.constant 0 : i32
    %c0_i32_1 = arith.constant 0 : i32
    return %c0_i32, %c0_i32_0 : i32, i32
  }
  func.func @transform_6(%arg0: i32, %arg1: i32) -> (i32, i32) {
    %c0_i32 = arith.constant 0 : i32
    %c0_i32_0 = arith.constant 0 : i32
    %c0_i32_1 = arith.constant 0 : i32
    return %c0_i32, %c0_i32_0 : i32, i32
  }
  func.func @transform_7(%arg0: i32, %arg1: i32) -> (i32, i32) {
    %c0_i32 = arith.constant 0 : i32
    %c0_i32_0 = arith.constant 0 : i32
    %c0_i32_1 = arith.constant 0 : i32
    return %c0_i32, %c0_i32_0 : i32, i32
  }
  func.func @transform_8(%arg0: i32, %arg1: i32) -> (i32, i32) {
    %c0_i32 = arith.constant 0 : i32
    %c0_i32_0 = arith.constant 0 : i32
    %c0_i32_1 = arith.constant 0 : i32
    return %c0_i32, %c0_i32_0 : i32, i32
  }
  func.func @transform_9(%arg0: i32, %arg1: i32) -> (i32, i32) {
    %c0_i32 = arith.constant 0 : i32
    %c0_i32_0 = arith.constant 0 : i32
    %c0_i32_1 = arith.constant 0 : i32
    return %c0_i32, %c0_i32_0 : i32, i32
  }
  func.func @transform_10(%arg0: i32, %arg1: i32) -> (i32, i32) {
    %c0_i32 = arith.constant 0 : i32
    %c0_i32_0 = arith.constant 0 : i32
    %c0_i32_1 = arith.constant 0 : i32
    return %c0_i32, %c0_i32_0 : i32, i32
  }
  func.func @transform_11(%arg0: i32, %arg1: i32) -> (i32, i32) {
    %c0_i32 = arith.constant 0 : i32
    %c0_i32_0 = arith.constant 0 : i32
    %c0_i32_1 = arith.constant 0 : i32
    return %c0_i32, %c0_i32_0 : i32, i32
  }
  func.func @transform_12(%arg0: i32, %arg1: i32) -> (i32, i32) {
    %c0_i32 = arith.constant 0 : i32
    %c0_i32_0 = arith.constant 0 : i32
    %c0_i32_1 = arith.constant 0 : i32
    return %c0_i32, %c0_i32_0 : i32, i32
  }
  func.func @transform_13(%arg0: i32, %arg1: i32) -> (i32, i32) {
    %c0_i32 = arith.constant 0 : i32
    %c0_i32_0 = arith.constant 0 : i32
    %c0_i32_1 = arith.constant 0 : i32
    return %c0_i32, %c0_i32_0 : i32, i32
  }
  func.func @transform_14(%arg0: i32, %arg1: i32) -> (i32, i32) {
    %c0_i32 = arith.constant 0 : i32
    %c0_i32_0 = arith.constant 0 : i32
    %c0_i32_1 = arith.constant 0 : i32
    return %c0_i32, %c0_i32_0 : i32, i32
  }
  func.func @transform_15(%arg0: i32, %arg1: i32) -> (i32, i32) {
    %c0_i32 = arith.constant 0 : i32
    %c0_i32_0 = arith.constant 0 : i32
    %c0_i32_1 = arith.constant 0 : i32
    return %c0_i32, %c0_i32_0 : i32, i32
  }
  func.func @transform_16(%arg0: i32, %arg1: i32) -> (i32, i32) {
    %c0_i32 = arith.constant 0 : i32
    %c0_i32_0 = arith.constant 0 : i32
    %c0_i32_1 = arith.constant 0 : i32
    return %c0_i32, %c0_i32_0 : i32, i32
  }
  func.func @transform_17(%arg0: i32, %arg1: i32) -> (i32, i32) {
    %c0_i32 = arith.constant 0 : i32
    %c0_i32_0 = arith.constant 0 : i32
    %c0_i32_1 = arith.constant 0 : i32
    return %c0_i32, %c0_i32_0 : i32, i32
  }
  func.func @transform_18(%arg0: i32, %arg1: i32) -> (i32, i32, i32, i32) {
    %c0_i32 = arith.constant 0 : i32
    %c0_i32_0 = arith.constant 0 : i32
    %c0_i32_1 = arith.constant 0 : i32
    return %arg0, %c0_i32, %arg1, %c0_i32_0 : i32, i32, i32, i32
  }
  func.func @transform_19(%arg0: i32, %arg1: i32) -> (i32, i32, i32, i32) {
    %c0_i32 = arith.constant 0 : i32
    %c0_i32_0 = arith.constant 0 : i32
    %c0_i32_1 = arith.constant 0 : i32
    return %arg0, %c0_i32, %arg1, %c0_i32_0 : i32, i32, i32, i32
  }
  func.func @transform_20(%arg0: i32, %arg1: i32) -> (i32, i32, i32) {
    %c0_i32 = arith.constant 0 : i32
    %c0_i32_0 = arith.constant 0 : i32
    return %arg0, %arg1, %c0_i32 : i32, i32, i32
  }
}

module attributes {stable_mosaic.version = 14 : i64} {
  func.func @_stage_c(%arg0: i32, %arg1: memref<2040x256xf32, #tpu.memory_space<vmem>>, %arg2: memref<256x256xf32, #tpu.memory_space<vmem>>, %arg3: memref<1x256xf32, #tpu.memory_space<vmem>>, %arg4: memref<2040x256xf32, #tpu.memory_space<vmem>>) attributes {dimension_semantics = [#tpu.dimension_semantics<arbitrary>], iteration_bounds = array<i64: 12>, scalar_prefetch = 0 : i64, scratch_operands = 0 : i64, tpu.core_type = #tpu.core_type<tc>, window_params = [{transform_indices = @transform_0, window_bounds = array<i64: 2040, 256>}, {pipeline_mode = #tpu.pipeline_mode<synchronous>, transform_indices = @transform_1, window_bounds = array<i64: 256, 256>}, {pipeline_mode = #tpu.pipeline_mode<synchronous>, transform_indices = @transform_2, window_bounds = array<i64: 1, 256>}, {transform_indices = @transform_3, window_bounds = array<i64: 2040, 256>}]} {
    %get3A = arith.constant 0 : index
    %get3A_0 = arith.constant 0 : index
    %get3A_1 = vector.load %arg1[%get3A, %get3A_0] : memref<2040x256xf32, #tpu.memory_space<vmem>>, vector<2040x256xf32>
    %get3A_2 = arith.constant 0 : index
    %get3A_3 = arith.constant 0 : index
    %get3A_4 = vector.load %arg2[%get3A_2, %get3A_3] : memref<256x256xf32, #tpu.memory_space<vmem>>, vector<256x256xf32>
    %dot_general3A = arith.constant dense<0.000000e+00> : vector<2040x256xf32>
    %dot_general3A_5 = tpu.matmul %get3A_1, %get3A_4, %dot_general3A {dimension_numbers = #tpu.dot_dimension_numbers<[1], [0], [0], [1], [0, 0, 1, 1], [], []>, precision = #tpu.contract_precision<fp32>, transpose_lhs_hint = false} : vector<2040x256xf32>, vector<256x256xf32>, vector<2040x256xf32> -> vector<2040x256xf32>
    %get3A_6 = arith.constant 0 : index
    %get3A_7 = arith.constant 0 : index
    %get3A_8 = vector.load %arg3[%get3A_6, %get3A_7] : memref<1x256xf32, #tpu.memory_space<vmem>>, vector<1x256xf32>
    %add3A = vector.broadcast %get3A_8 : vector<1x256xf32> to vector<2040x256xf32>
    %add3A_9 = arith.addf %dot_general3A_5, %add3A : vector<2040x256xf32>
    %swap3A = arith.constant 0 : index
    %swap3A_10 = arith.constant 0 : index
    %swap3A_11 = vector.load %arg4[%swap3A, %swap3A_10] : memref<2040x256xf32, #tpu.memory_space<vmem>>, vector<2040x256xf32>
    tpu.vector_store %arg4[%swap3A, %swap3A_10], %add3A_9 {strides = array<i32>} : memref<2040x256xf32, #tpu.memory_space<vmem>>, vector<2040x256xf32>,
    return
  }
  func.func @transform_0(%arg0: i32) -> (i32, i32) {
    %c0_i32 = arith.constant 0 : i32
    %c0_i32_0 = arith.constant 0 : i32
    return %arg0, %c0_i32 : i32, i32
  }
  func.func @transform_1(%arg0: i32) -> (i32, i32) {
    %c0_i32 = arith.constant 0 : i32
    %c0_i32_0 = arith.constant 0 : i32
    %c0_i32_1 = arith.constant 0 : i32
    return %c0_i32, %c0_i32_0 : i32, i32
  }
  func.func @transform_2(%arg0: i32) -> (i32, i32) {
    %c0_i32 = arith.constant 0 : i32
    %c0_i32_0 = arith.constant 0 : i32
    %c0_i32_1 = arith.constant 0 : i32
    return %c0_i32, %c0_i32_0 : i32, i32
  }
  func.func @transform_3(%arg0: i32) -> (i32, i32) {
    %c0_i32 = arith.constant 0 : i32
    %c0_i32_0 = arith.constant 0 : i32
    return %arg0, %c0_i32 : i32, i32
  }
}

</mosaic_0001>

<sc_bundles>
// kernel: kernel.5.cloned.1.call-start
scs
__scs_entry_jumppad:
0x0: {  	(pc) =	sbr.rel $0x88, $3  }
0x1: {  	(tag) =	ssettag $0x0;
	lr =	simm.s32 $0x1  }
0x2: {  	[smem:$0x3F96] =	sst lr;
	_ =	strace $0xD0000000  }
0x3: {  	_ = 	snop  }
0x4: {  	_ = 	snop  }
0x5: {  	_ = 	snop  }
0x6: {  	_ = 	snop  }
0x7: {  	_ = 	snop  }
__scs_overlays_trampoline_lowered:
0x8: {  	[smem:$0x3FA5] =	sst s0  }
0x9: {  	[smem:$0x3FA6] =	sst s1  }
0xa: {  	[smem:$0x3FA7] =	sst s2  }
0xb: {  	[smem:$0x3FA8] =	sst s3  }
0xc: {  	[smem:$0x3FA9] =	sst s4  }
0xd: {  	[smem:$0x3FAA] =	sst s5  }
0xe: {  	[smem:$0x3FAB] =	sst s6  }
0xf: {  	[smem:$0x3FAC] =	sst s7  }
0x10: {  	[smem:$0x3FAD] =	sst s8  }
0x11: {  	[smem:$0x3FAE] =	sst s9;
	s0 =	simm.s32 @!p0 $0x0  }
0x12: {  	s1 =	sld [smem:$0x3F94];
	s0 =	simm.s32 @p0 $0x1  }
0x13: {  	[smem:$0x3FAF] =	sst s0;
	s0 =	simm.s32 @!p1 $0x0  }
0x14: {  	s2 =	sld [smem:$0x3F93];
	s0 =	simm.s32 @p1 $0x1  }
0x15: {  	[smem:$0x3FB0] =	sst s0;
	s0 =	simm.s32 @!p2 $0x0  }
0x16: {  	s3 =	sld [smem:$0x3FDB];
	s0 =	simm.s32 @p2 $0x1  }
0x17: {  	s4 =	simm.s32 $0x1BF5;
	[smem:$0x3FB2] =	sst s0  }
0x18: {  	s0 =	sld [smem:$0x3F95];
	_ =	swait.ge [sflag:s4], $0x0  }
0x19: {  	s7 =	sld [smem:$0x3F96]  }
0x1a: {  	s8 =	sadd.s32 $0xFFFFE003, lr  }
0x1b: {  	s9 =	sadd.s32 $0xFFFFFEF7, lr;
	s5 =	simm.s32 $0xFFFFFFFF;
	p2 =	slt.u32 s8, $0xFFFFF086  }
0x1c: {  	p1 =	slt.u32 s9, $0xF7A;
	s5 =	simm.s32 @!p2 $0x0  }
0x1d: {  	s5 =	simm.s32 @p1 $0x1;
	p0 =	seq.s32 s7, s2  }
0x1e: {  	s7 =	smul.u32 @!p0 $0xF7A, s2;
	p2 =	seq.s32 @!p0 s5, $0x0  }
0x1f: {  	s9 =	smul.u32 $0xF7A, s1;
	s8 =	simm.s32 @!p0 $0x1BF5;
	p2 =	por !p2, p0  }
0x20: {  	[sflag:s8] =	ssyncset.s32 @!p0 $0xFFFFF086;
	s6 =	sadd.s32 @!p0 s3, s7;
	s7 =	simm.s32 @!p0 $0x108  }
0x21: {  	s3 =	sadd.s32 s3, s9;
	s6 =	sadd.s32 @!p0 $0x88, s6;
	s7 =	simm.s32 @p2 $0x1082  }
0x22: {  	[simem:s7], [sflag:s8] =	dma.local @!p0 [hbm:s6], $0xF7A  }
0x23: {  	s9 =	sor.u32 $0xD0000000, s2;
	s6 =	simm.s32 $0x108;
	_ =	swait.ge @!p0 [sflag:s8], $0x0  }
0x24: {  	s3 =	sadd.s32 $0x88, s3;
	s6 =	simm.s32 @!p1 $0x1082;
	[sflag:s4] =	ssyncset.s32 $0xFFFFF086  }
0x25: {  	[simem:s6], [sflag:s4] =	dma.local [hbm:s3], $0xF7A  }
0x26: {  	[smem:$0x3F96] =	sst s1;
	(tag) =	ssettag s2;
	_ =	strace s9  }
0x27: {  	s1 =	sld [smem:$0x3FA6]  }
0x28: {  	s2 =	sld [smem:$0x3FA7]  }
0x29: {  	s4 =	sld [smem:$0x3FA9]  }
0x2a: {  	p0 =	seq.s32 s5, $0x0;
	s5 =	sld [smem:$0x3FAA]  }
0x2b: {  	s6 =	sld [smem:$0x3FAB]  }
0x2c: {  	s7 =	sld [smem:$0x3FAC]  }
0x2d: {  	s3 =	simm.s32 $0x108;
	s8 =	sld [smem:$0x3FAD]  }
0x2e: {  	s3 =	simm.s32 @!p0 $0x1082;
	s9 =	sld [smem:$0x3FAE]  }
0x2f: {  	lr =	sadd.s32 s0, s3;
	s0 =	sld [smem:$0x3FA5]  }
0x30: {  	s3 =	sld [smem:$0x3FA8]  }
0x31: {  	[smem:$0x3FB1] =	sst s10  }
0x32: {  	s10 =	sld [smem:$0x3FAF];
	_ =	sdelay $0x3  }
0x33: {  	p0 =	seq.s32 s10, $0x1;
	s10 =	sld [smem:$0x3FB1];
	_ =	sdelay $0x3  }
0x34: {  	[smem:$0x3FB1] =	sst s10  }
0x35: {  	s10 =	sld [smem:$0x3FB0];
	_ =	sdelay $0x3  }
0x36: {  	p1 =	seq.s32 s10, $0x1;
	s10 =	sld [smem:$0x3FB1];
	_ =	sdelay $0x3  }
0x37: {  	[smem:$0x3FB1] =	sst s10  }
0x38: {  	s10 =	sld [smem:$0x3FB2]  }
0x39: {  	_ = 	snop;
	(pc) =	sbr.ind lr, $3  }
0x3a: {  	_ = 	snop  }
0x3b: {  	_ = 	snop  }
0x3c: {  	p2 =	seq.s32 s10, $0x1;
	s10 =	sld [smem:$0x3FB1]  }
0x3d: {  	_ =	shalt  }
0x3e: {  	_ =	shalt  }
0x3f: {  	_ =	shalt  }
0x40: {  	_ =	shalt  }
0x41: {  	_ =	shalt  }
0x42: {  	_ =	shalt  }
0x43: {  	_ =	shalt  }
0x44: {  	_ =	shalt  }
0x45: {  	_ =	shalt  }
0x46: {  	_ =	shalt  }
0x47: {  	_ =	shalt  }
0x48: {  	_ =	shalt  }
0x49: {  	_ =	shalt  }
0x4a: {  	_ =	shalt  }
0x4b: {  	_ =	shalt  }
0x4c: {  	_ =	shalt  }
0x4d: {  	_ =	shalt  }
0x4e: {  	_ =	shalt  }
0x4f: {  	_ =	shalt  }
0x50: {  	_ =	shalt  }
0x51: {  	_ =	shalt  }
0x52: {  	_ =	shalt  }
0x53: {  	_ =	shalt  }
0x54: {  	_ =	shalt  }
0x55: {  	_ =	shalt  }
0x56: {  	_ =	shalt  }
0x57: {  	_ =	shalt  }
0x58: {  	_ =	shalt  }
0x59: {  	_ =	shalt  }
0x5a: {  	_ =	shalt  }
0x5b: {  	_ =	shalt  }
0x5c: {  	_ =	shalt  }
0x5d: {  	_ =	shalt  }
0x5e: {  	_ =	shalt  }
0x5f: {  	_ =	shalt  }
0x60: {  	_ =	shalt  }
0x61: {  	_ =	shalt  }
0x62: {  	_ =	shalt  }
0x63: {  	_ =	shalt  }
0x64: {  	_ =	shalt  }
0x65: {  	_ =	shalt  }
0x66: {  	_ =	shalt  }
0x67: {  	_ =	shalt  }
0x68: {  	_ =	shalt  }
0x69: {  	_ =	shalt  }
0x6a: {  	_ =	shalt  }
0x6b: {  	_ =	shalt  }
0x6c: {  	_ =	shalt  }
0x6d: {  	_ =	shalt  }
0x6e: {  	_ =	shalt  }
0x6f: {  	_ =	shalt  }
0x70: {  	_ =	shalt  }
0x71: {  	_ =	shalt  }
0x72: {  	_ =	shalt  }
0x73: {  	_ =	shalt  }
0x74: {  	_ =	shalt  }
0x75: {  	_ =	shalt  }
0x76: {  	_ =	shalt  }
0x77: {  	_ =	shalt  }
0x78: {  	_ =	shalt  }
0x79: {  	_ =	shalt  }
0x7a: {  	_ =	shalt  }
0x7b: {  	_ =	shalt  }
0x7c: {  	_ =	shalt  }
0x7d: {  	_ =	shalt  }
0x7e: {  	_ =	shalt  }
0x7f: {  	_ =	shalt  }
0x80: {  	_ =	shalt  }
0x81: {  	_ =	shalt  }
0x82: {  	_ =	shalt  }
0x83: {  	_ =	shalt  }
0x84: {  	_ =	shalt  }
0x85: {  	_ =	shalt  }
0x86: {  	_ =	shalt  }
0x87: {  	_ =	shalt  }
.Lfunc_end0:
.L_simem_size_0:
called_computation_lowered:
.L_overlay_start_0:
0x88: {  	s2 =	sld [smem:$0x3FD9]  }
0x89: {  	s3 =	sld [smem:$0x3FFE];
	_ =	sdelay $0x1  }
0x8a: {  	s1 =	srdreg.scid  }
0x8b: {  	s0 =	sand.u32 $0x1, s1  }
0x8c: {  	s17 =	sshll.u32 s0, $0xA;
	s2 =	sadd.s32 s3, s2  }
0x8d: {  	s2 =	sadd.s32 s2, s17  }
0x8e: {  	[smem:$0x3FBD] =	sst s2  }
0x8f: {  	_ = 	snop  }
0x90: {  	s2 =	sld [smem:$0x3FD0];
	(tm) =	ssettm $0x1  }
0x91: {  	s18 =	sld [smem:$0x3FFB];
	_ =	sdelay $0x3  }
0x92: {  	_ =	strace s18  }
0x93: {  	s3 =	sld [smem:$0x3FFC];
	_ =	sdelay $0x3  }
0x94: {  	_ =	strace s3  }
0x95: {  	s3 =	sld [smem:$0x3FFD];
	_ =	sdelay $0x3  }
0x96: {  	_ =	strace s3  }
0x97: {  	_ =	strace $0x8FFFFFFF  }
0x98: {  	s19 =	sld [smem:$0x3FDB];
	_ =	sdelay $0x1  }
0x99: {  	s4 =	simm.s32 $_scs_section_size  }
0x9a: {  	s5 =	simm.s32 $_size__tile_overlayer_lowered;
	s6 =	simm.s32 $_tile_overlayer_lowered  }
0x9b: {  	s22 =	simm.s32 $0x1BFF;
	s21 =	sshll.u32 s6, $0x1;
	s3 =	sadd.s32 s4, s19  }
0x9c: {  	s7 =	simm.s32 $0x0;
	s20 =	sshll.u32 s5, $0x1;
	s5 =	sadd.s32 s21, s3  }
0x9d: {  	[timem:s7], [sflag:s22] =	dma.local [hbm:s5], s20  }
0x9e: {  	_ =	swait.ge [sflag:s22], s20  }
0x9f: {  	s4 =	ssub.s32 $0x0, s20;
	[sflag:s22] =	ssyncset.done $0x0  }
0xa0: {  	[sflag:s22] =	ssyncadd.s32 s4;
	_ =	sdelay $0x1  }
0xa1: {  	s23 =	simm.s32 $0x1B8B  }
0xa2: {  	_ =	swait.ge [sflag:s23], $0x1  }
0xa3: {  	[sflag:s23] =	ssyncset.done $0x0  }
0xa4: {  	s25 =	simm.s32 $0x1B8E;
	s24 =	sld [smem:$0x3FFE];
	[sflag:s23] =	ssyncadd.s32 $0xFFFFFFFF  }
0xa5: {  	s26 =	simm.s32 $execute0_lowered;
	[smem:$0x3FD2] =	sst s25  }
0xa6: {  	s5 =	sshll.u32 s26, $0x1;
	_ =	strace $0x80000046;
	[dreg:$0x1] =	wrdreg $0xFFFFFFFF  }
0xa7: {  	s28 =	simm.s32 $_size_execute0_lowered;
	s3 =	sadd.s32 s3, s5;
	[dreg:$0x0] =	wrdreg $0x0  }
0xa8: {  	s5 =	sshll.u32 s28, $0x1;
	[dreg:$0x2] =	wrdreg s3  }
0xa9: {  	[dreg:$0x3] =	wrdreg s5  }
0xaa: {  	[dreg:$0x4] =	wrdreg $0xC0  }
0xab: {  	_ =	task [dreg:s7], $0x5FFFF  }
0xac: {  	[dreg:$0x1] =	wrdreg $0xFFFFFFFF  }
0xad: {  	[dreg:$0x0] =	wrdreg $0x60  }
0xae: {  	[dreg:$0x2] =	wrdreg s24  }
0xaf: {  	[dreg:$0x3] =	wrdreg s2  }
0xb0: {  	[dreg:$0x4] =	wrdreg $0x9  }
0xb1: {  	_ =	task.clear_ibuf [dreg:s7], $0x5FFFF;
	_ =	strace $0x90000046  }
0xb2: {  	s29 =	simm.s32 $0x9;
	_ =	strace $0x80000048  }
0xb3: {  	_ =	swait.ge [sflag:s29], $0x1  }
0xb4: {  	[sflag:s29] =	ssyncadd.s32 $0xFFFFFFFF  }
0xb5: {  	_ =	strace $0x90000048  }
0xb6: {  	_ =	sfence  }
0xb7: {  	s30 =	sld [smem:$0x0];
	_ =	sdelay $0x2  }
0xb8: {  	s31 =	sshll.u32 s1, $0xD;
	s1 =	sshrl.u32 s1, $0x2  }
0xb9: {  	s3 =	sand.u32 $0x4000, s31;
	s1 =	sadd.s32 s1, s30  }
0xba: {  	s0 =	sor.u32 s3, s0;
	s1 =	sshll.u32 s1, $0x11  }
0xbb: {  	s0 =	sor.u32 s1, s0  }
0xbc: {  	s0 =	sadd.s32 $0x8F2B, s0  }
0xbd: {  	[sflag:s0] =	ssyncadd.remote.s32 $0x1  }
0xbe: {  	_ =	sfence.sel $0xFFFF  }
0xbf: {  	[dreg:$0x0] =	wrdreg $0xFFFFFFFF;
	(pc) =	sbr.abs _section_cstart, $3  }
0xc0: {  	[dreg:$0x1] =	wrdreg $0xFFFFFFFF  }
0xc1: {  	_ =	task.clear_ibuf [dreg:s7], $0x2FFFF;
	_ =	strace $0x9FFFFFFF  }
0xc2: {  	(tm) =	ssettm $0x7FFFFFFF  }
0xc3: {  	_ =	shalt  }
tec
execute0_lowered:
.L_overlay_start_1:
0x0: {  	(tag) =	ssettag $0x1  }
0x1: {  	s0 =	rddreg [dreg:$0x0];
	s1 =	simm.s32 $0x0  }
0x2: {  	s29 =	srdreg.scid;
	s3 =	stileid.u32;
	s11 =	simm.s32 $0x2  }
0x3: {  	s12 =	simm.s32 $0xA00;
	s13 =	simm.s32 $0x280;
	s15 =	simm.s32 $0x500  }
0x4: {  	s17 =	simm.s32 $0x780;
	s19 =	simm.s32 $0x80;
	s20 =	simm.s32 $0x1400  }
0x5: {  	s10 =	simm.s32 $0x900;
	s14 =	simm.s32 $0x14400;
	s16 =	simm.s32 $0x1  }
0x6: {  	s18 =	simm.s32 $0x15400;
	[smem:$0x7FF] =	sst s1;
	s1 =	sand.u32 $0x1, s29  }
0x7: {  	s4 =	sadd.s32 $0x2FDE00, s0;
	s5 =	smul.u32 $0x2FD, s3;
	s2 =	ssub.s32 $0x2, s1  }
0x8: {  	s6 =	sadd.s32 $0xE00, s0;
	s8 =	sadd.s32 $0x17F600, s0;
	s30 =	sshrl.u32 s2, $0x1  }
0x9: {  	s3 =	simm.s32 $0x980;
	s7 =	smul.u32 $0xBF40, s1;
	s31 =	ssub.s32 s2, s30  }
0xa: {  	v0 =	vlaneseq.u32;
	_ =	strace $0x80000047;
	s9 =	smul.u32 $0x2FD0, s1;
	s0 =	smax.u32 s31, $0x1  }
0xb: {  	v1 =	vor.u32 $0x10, v0;
	s1 =	simm.s32 $0x13400;
	s2 =	simm.s32 $0x0;
	[dreg:$0x3] =	wrdreg s0  }
.LBB2_1:
0xc: {  	[dreg:$0x4] =	wrdreg s2;
	s21 =	simm.s32 $0x0  }
.LBB2_2:
0xd: {  	s22 =	smul.u32 $0x5, s21;
	_ =	sdelay $0x1  }
0xe: {  	s22 =	sadd.s32 s5, s22  }
0xf: {  	s23 =	sadd.s32 s7, s22  }
0x10: {  	s24 =	sshll.u32 s23, $0x4  }
0x11: {  	s23 =	simm.s32 $0x0;
	s25 =	sadd.s32 s6, s24  }
0x12: {  	[tilespmem:s23], [sflag:$0x2] =	stream.linear.gather [hbm4b:s25+s23], $0x280, $0x38;
	[tilespmem:$0x15900] =	vst v63  }
0x13: {  	_ =	swait.ge [sflag:s11], $0x280  }
0x14: {  	[sflag:s11] =	ssyncset.done $0x0  }
0x15: {  	s26 =	sadd.s32 s8, s24;
	[sflag:s11] =	ssyncadd.s32 $0xFFFFFD80  }
0x16: {  	[tilespmem:s12], [sflag:$0x2] =	stream.linear.gather [hbm4b:s26+s23], $0x280, $0x38;
	[tilespmem:$0x15900] =	vst v63  }
0x17: {  	s24 =	sand.u32 $0x1FFFFFF0, s24;
	_ =	swait.ge [sflag:s11], $0x280  }
0x18: {  	s28 =	sadd.s32 $0x2FD00, s24;
	[sflag:s11] =	ssyncset.done $0x0  }
0x19: {  	s26 =	sadd.s32 s6, s28;
	[sflag:s11] =	ssyncadd.s32 $0xFFFFFD80  }
0x1a: {  	[tilespmem:s13], [sflag:$0x2] =	stream.linear.gather [hbm4b:s26+s23], $0x280, $0x38;
	[tilespmem:$0x15900] =	vst v63  }
0x1b: {  	_ =	swait.ge [sflag:s11], $0x280  }
0x1c: {  	[sflag:s11] =	ssyncset.done $0x0  }
0x1d: {  	s0 =	simm.s32 $0xC80;
	s25 =	sadd.s32 s8, s28;
	[sflag:s11] =	ssyncadd.s32 $0xFFFFFD80  }
0x1e: {  	[tilespmem:s0], [sflag:$0x2] =	stream.linear.gather [hbm4b:s25+s23], $0x280, $0x38;
	[tilespmem:$0x15900] =	vst v63  }
0x1f: {  	_ =	swait.ge [sflag:s11], $0x280  }
0x20: {  	s29 =	sadd.s32 $0x5FA00, s24;
	[sflag:s11] =	ssyncset.done $0x0  }
0x21: {  	s30 =	sadd.s32 s6, s29;
	[sflag:s11] =	ssyncadd.s32 $0xFFFFFD80  }
0x22: {  	[tilespmem:s15], [sflag:$0x2] =	stream.linear.gather [hbm4b:s30+s23], $0x280, $0x38;
	[tilespmem:$0x15900] =	vst v63  }
0x23: {  	_ =	swait.ge [sflag:s11], $0x280  }
0x24: {  	[sflag:s11] =	ssyncset.done $0x0  }
0x25: {  	s31 =	simm.s32 $0xF00;
	s25 =	sadd.s32 s8, s29;
	[sflag:s11] =	ssyncadd.s32 $0xFFFFFD80  }
0x26: {  	[tilespmem:s31], [sflag:$0x2] =	stream.linear.gather [hbm4b:s25+s23], $0x280, $0x38;
	[tilespmem:$0x15900] =	vst v63  }
0x27: {  	_ =	swait.ge [sflag:s11], $0x280  }
0x28: {  	s24 =	sadd.s32 $0x8F700, s24;
	[sflag:s11] =	ssyncset.done $0x0  }
0x29: {  	s0 =	sadd.s32 s6, s24;
	[sflag:s11] =	ssyncadd.s32 $0xFFFFFD80  }
0x2a: {  	[tilespmem:s17], [sflag:$0x2] =	stream.linear.gather [hbm4b:s0+s23], $0x280, $0x38;
	[tilespmem:$0x15900] =	vst v63  }
0x2b: {  	_ =	swait.ge [sflag:s11], $0x280  }
0x2c: {  	[sflag:s11] =	ssyncset.done $0x0  }
0x2d: {  	s2 =	simm.s32 $0x1180;
	s24 =	sadd.s32 s8, s24;
	[sflag:s11] =	ssyncadd.s32 $0xFFFFFD80  }
0x2e: {  	[tilespmem:s2], [sflag:$0x2] =	stream.linear.gather [hbm4b:s24+s23], $0x280, $0x38;
	[tilespmem:$0x15900] =	vst v63  }
0x2f: {  	_ =	swait.ge [sflag:s11], $0x280  }
0x30: {  	[sflag:s11] =	ssyncset.done $0x0  }
0x31: {  	[sflag:s11] =	ssyncadd.s32 $0xFFFFFD80  }
0x32: {  	[tilespmem:s20], [sflag:$0x1] =	stream.indirect.gather [hbm4b:s4+s19], $0x20, s23, s19, $0xb8;
	[tilespmem:$0x15900] =	vst v63  }
0x33: {  	s24 =	simm.s32 $0x2400  }
0x34: {  	[tilespmem:s24], [sflag:$0x1] =	stream.indirect.gather [hbm4b:s4+s19], $0x20, s19, s19, $0xb8;
	[tilespmem:$0x15900] =	vst v63  }
0x35: {  	s25 =	simm.s32 $0x100;
	s2 =	simm.s32 $0x3400  }
0x36: {  	[tilespmem:s2], [sflag:$0x1] =	stream.indirect.gather [hbm4b:s4+s19], $0x20, s25, s19, $0xb8;
	[tilespmem:$0x15900] =	vst v63  }
0x37: {  	s28 =	simm.s32 $0x4400;
	s26 =	simm.s32 $0x180  }
0x38: {  	[tilespmem:s28], [sflag:$0x1] =	stream.indirect.gather [hbm4b:s4+s19], $0x20, s26, s19, $0xb8;
	[tilespmem:$0x15900] =	vst v63  }
0x39: {  	s29 =	simm.s32 $0x200;
	s30 =	simm.s32 $0x5400  }
0x3a: {  	[tilespmem:s30], [sflag:$0x1] =	stream.indirect.gather [hbm4b:s4+s19], $0x20, s29, s19, $0xb8;
	[tilespmem:$0x15900] =	vst v63  }
0x3b: {  	s31 =	simm.s32 $0x6400  }
0x3c: {  	[tilespmem:s31], [sflag:$0x1] =	stream.indirect.gather [hbm4b:s4+s19], $0x20, s13, s19, $0xb8;
	[tilespmem:$0x15900] =	vst v63  }
0x3d: {  	s24 =	simm.s32 $0x7400;
	s2 =	simm.s32 $0x300  }
0x3e: {  	[tilespmem:s24], [sflag:$0x1] =	stream.indirect.gather [hbm4b:s4+s19], $0x20, s2, s19, $0xb8;
	[tilespmem:$0x15900] =	vst v63  }
0x3f: {  	s25 =	simm.s32 $0x380;
	s26 =	simm.s32 $0x8400  }
0x40: {  	[tilespmem:s26], [sflag:$0x1] =	stream.indirect.gather [hbm4b:s4+s19], $0x20, s25, s19, $0xb8;
	[tilespmem:$0x15900] =	vst v63  }
0x41: {  	s28 =	simm.s32 $0x400;
	s29 =	simm.s32 $0x9400  }
0x42: {  	[tilespmem:s29], [sflag:$0x1] =	stream.indirect.gather [hbm4b:s4+s19], $0x20, s28, s19, $0xb8;
	[tilespmem:$0x15900] =	vst v63  }
0x43: {  	s30 =	simm.s32 $0x480;
	s31 =	simm.s32 $0xA400  }
0x44: {  	[tilespmem:s31], [sflag:$0x1] =	stream.indirect.gather [hbm4b:s4+s19], $0x20, s30, s19, $0xb8;
	[tilespmem:$0x15900] =	vst v63  }
0x45: {  	s24 =	simm.s32 $0xB400  }
0x46: {  	[tilespmem:s24], [sflag:$0x1] =	stream.indirect.gather [hbm4b:s4+s19], $0x20, s15, s19, $0xb8;
	[tilespmem:$0x15900] =	vst v63  }
0x47: {  	s25 =	simm.s32 $0x580;
	s26 =	simm.s32 $0xC400  }
0x48: {  	[tilespmem:s26], [sflag:$0x1] =	stream.indirect.gather [hbm4b:s4+s19], $0x20, s25, s19, $0xb8;
	[tilespmem:$0x15900] =	vst v63  }
0x49: {  	s28 =	simm.s32 $0x600;
	s29 =	simm.s32 $0xD400  }
0x4a: {  	[tilespmem:s29], [sflag:$0x1] =	stream.indirect.gather [hbm4b:s4+s19], $0x20, s28, s19, $0xb8;
	[tilespmem:$0x15900] =	vst v63  }
0x4b: {  	s30 =	simm.s32 $0x680;
	s31 =	simm.s32 $0xE400  }
0x4c: {  	[tilespmem:s31], [sflag:$0x1] =	stream.indirect.gather [hbm4b:s4+s19], $0x20, s30, s19, $0xb8;
	[tilespmem:$0x15900] =	vst v63  }
0x4d: {  	s24 =	simm.s32 $0x700;
	s25 =	simm.s32 $0xF400  }
0x4e: {  	[tilespmem:s25], [sflag:$0x1] =	stream.indirect.gather [hbm4b:s4+s19], $0x20, s24, s19, $0xb8;
	[tilespmem:$0x15900] =	vst v63  }
0x4f: {  	s26 =	simm.s32 $0x10400  }
0x50: {  	[tilespmem:s26], [sflag:$0x1] =	stream.indirect.gather [hbm4b:s4+s19], $0x20, s17, s19, $0xb8;
	[tilespmem:$0x15900] =	vst v63  }
0x51: {  	s28 =	simm.s32 $0x800;
	s29 =	simm.s32 $0x11400  }
0x52: {  	[tilespmem:s29], [sflag:$0x1] =	stream.indirect.gather [hbm4b:s4+s19], $0x20, s28, s19, $0xb8;
	[tilespmem:$0x15900] =	vst v63  }
0x53: {  	s30 =	simm.s32 $0x880;
	s31 =	simm.s32 $0x12400  }
0x54: {  	[tilespmem:s31], [sflag:$0x1] =	stream.indirect.gather [hbm4b:s4+s19], $0x20, s30, s19, $0xb8;
	[tilespmem:$0x15900] =	vst v63  }
0x55: {  	_ = 	snop  }
0x56: {  	[tilespmem:s1], [sflag:$0x1] =	stream.indirect.gather [hbm4b:s4+s19], $0x20, s10, s19, $0xb8;
	[tilespmem:$0x15900] =	vst v63  }
0x57: {  	_ = 	snop  }
0x58: {  	[tilespmem:s14], [sflag:$0x1] =	stream.indirect.gather [hbm4b:s4+s19], $0x20, s3, s19, $0xb8;
	[tilespmem:$0x15900] =	vst v63  }
0x59: {  	_ =	swait.ge [sflag:s16], $0x1000  }
0x5a: {  	[sflag:s16] =	ssyncset.done $0x0  }
0x5b: {  	[sflag:s16] =	ssyncadd.s32 $0xFFFFF000  }
0x5c: {  	_ =	swait.ge [sflag:s16], $0x1000  }
0x5d: {  	[sflag:s16] =	ssyncset.done $0x0  }
0x5e: {  	[sflag:s16] =	ssyncadd.s32 $0xFFFFF000  }
0x5f: {  	_ =	swait.ge [sflag:s16], $0x1000  }
0x60: {  	[sflag:s16] =	ssyncset.done $0x0  }
0x61: {  	[sflag:s16] =	ssyncadd.s32 $0xFFFFF000  }
0x62: {  	_ =	swait.ge [sflag:s16], $0x1000  }
0x63: {  	[sflag:s16] =	ssyncset.done $0x0  }
0x64: {  	[sflag:s16] =	ssyncadd.s32 $0xFFFFF000  }
0x65: {  	_ =	swait.ge [sflag:s16], $0x1000  }
0x66: {  	[sflag:s16] =	ssyncset.done $0x0  }
0x67: {  	[sflag:s16] =	ssyncadd.s32 $0xFFFFF000  }
0x68: {  	_ =	swait.ge [sflag:s16], $0x1000  }
0x69: {  	[sflag:s16] =	ssyncset.done $0x0  }
0x6a: {  	[sflag:s16] =	ssyncadd.s32 $0xFFFFF000  }
0x6b: {  	_ =	swait.ge [sflag:s16], $0x1000  }
0x6c: {  	[sflag:s16] =	ssyncset.done $0x0  }
0x6d: {  	[sflag:s16] =	ssyncadd.s32 $0xFFFFF000  }
0x6e: {  	_ =	swait.ge [sflag:s16], $0x1000  }
0x6f: {  	[sflag:s16] =	ssyncset.done $0x0  }
0x70: {  	[sflag:s16] =	ssyncadd.s32 $0xFFFFF000  }
0x71: {  	_ =	swait.ge [sflag:s16], $0x1000  }
0x72: {  	[sflag:s16] =	ssyncset.done $0x0  }
0x73: {  	[sflag:s16] =	ssyncadd.s32 $0xFFFFF000  }
0x74: {  	_ =	swait.ge [sflag:s16], $0x1000  }
0x75: {  	[sflag:s16] =	ssyncset.done $0x0  }
0x76: {  	[sflag:s16] =	ssyncadd.s32 $0xFFFFF000  }
0x77: {  	_ =	swait.ge [sflag:s16], $0x1000  }
0x78: {  	[sflag:s16] =	ssyncset.done $0x0  }
0x79: {  	[sflag:s16] =	ssyncadd.s32 $0xFFFFF000  }
0x7a: {  	_ =	swait.ge [sflag:s16], $0x1000  }
0x7b: {  	[sflag:s16] =	ssyncset.done $0x0  }
0x7c: {  	[sflag:s16] =	ssyncadd.s32 $0xFFFFF000  }
0x7d: {  	_ =	swait.ge [sflag:s16], $0x1000  }
0x7e: {  	[sflag:s16] =	ssyncset.done $0x0  }
0x7f: {  	[sflag:s16] =	ssyncadd.s32 $0xFFFFF000  }
0x80: {  	_ =	swait.ge [sflag:s16], $0x1000  }
0x81: {  	[sflag:s16] =	ssyncset.done $0x0  }
0x82: {  	[sflag:s16] =	ssyncadd.s32 $0xFFFFF000  }
0x83: {  	_ =	swait.ge [sflag:s16], $0x1000  }
0x84: {  	[sflag:s16] =	ssyncset.done $0x0  }
0x85: {  	[sflag:s16] =	ssyncadd.s32 $0xFFFFF000  }
0x86: {  	_ =	swait.ge [sflag:s16], $0x1000  }
0x87: {  	[sflag:s16] =	ssyncset.done $0x0  }
0x88: {  	[sflag:s16] =	ssyncadd.s32 $0xFFFFF000  }
0x89: {  	_ =	swait.ge [sflag:s16], $0x1000  }
0x8a: {  	[sflag:s16] =	ssyncset.done $0x0  }
0x8b: {  	[sflag:s16] =	ssyncadd.s32 $0xFFFFF000  }
0x8c: {  	_ =	swait.ge [sflag:s16], $0x1000  }
0x8d: {  	[sflag:s16] =	ssyncset.done $0x0  }
0x8e: {  	[sflag:s16] =	ssyncadd.s32 $0xFFFFF000  }
0x8f: {  	_ =	swait.ge [sflag:s16], $0x1000  }
0x90: {  	[sflag:s16] =	ssyncset.done $0x0  }
0x91: {  	[sflag:s16] =	ssyncadd.s32 $0xFFFFF000  }
0x92: {  	_ =	swait.ge [sflag:s16], $0x1000  }
0x93: {  	[sflag:s16] =	ssyncset.done $0x0  }
0x94: {  	s24 =	simm.s32 $0x0;
	[sflag:s16] =	ssyncadd.s32 $0xFFFFF000  }
.LBB2_3:
0x95: {  	s25 =	simm.s32 $0x0  }
0x96: {  	s28 =	smul.u32 $0x5, s25  }
0x97: {  	s25 =	sshrl.u32 s24, $0x3  }
0x98: {  	s26 =	sand.u32 $0x7, s24;
	s29 =	sadd.s32 s25, s28  }
0x99: {  	s28 =	sshll.u32 s26, $0x4;
	s29 =	sshll.u32 s29, $0x7  }
0x9a: {  	s30 =	sand.u32 $0xF, s23;
	s29 =	sor.u32 s28, s29  }
0x9b: {  	s31 =	simm.s32 $0x0;
	s29 =	sor.u32 s30, s29  }
0x9c: {  	s30 =	smul.u32 $0x5, s31;
	v2 =	vmov s29  }
0x9d: {  	v3 =	vshll.u32 v2, $0x5  }
0x9e: {  	s29 =	sadd.s32 s25, s30;
	v4 =	vor.u32 v1, v3  }
0x9f: {  	s30 =	simm.s32 $0x1;
	s29 =	sshll.u32 s29, $0x7  }
0xa0: {  	s31 =	simm.s32 $0x0;
	v3 =	vor.u32 v0, v3;
	s30 =	sand.u32 $0xF, s30;
	s29 =	sor.u32 s28, s29  }
0xa1: {  	s29 =	sor.u32 s30, s29;
	s30 =	smul.u32 $0x5, s31  }
0xa2: {  	v5 =	vmov s29;
	v10 =	vld.idx.msk [tilespmem:v2+s12+$0x0], $0xffff  }
0xa3: {  	v2 =	vshll.u32 v5, $0x5;
	s29 =	sadd.s32 s25, s30;
	v4 =	vld.idx.msk [tilespmem:v4+s20+$0x0], $0xffff  }
0xa4: {  	s30 =	simm.s32 $0x2;
	v7 =	vor.u32 v1, v2;
	s29 =	sshll.u32 s29, $0x7  }
0xa5: {  	v8 =	vor.u32 v0, v2;
	v11 =	vld.idx.msk [tilespmem:v3+s20+$0x0], $0xffff;
	s30 =	sand.u32 $0xF, s30;
	s29 =	sor.u32 s28, s29  }
0xa6: {  	s31 =	simm.s32 $0x0;
	s29 =	sor.u32 s30, s29  }
0xa7: {  	s30 =	smul.u32 $0x5, s31;
	v6 =	vmov s29  }
0xa8: {  	v2 =	vld.idx.msk [tilespmem:v5+s12+$0x0], $0xffff;
	v5 =	vshll.u32 v6, $0x5;
	v12 =	vmul.f32 v4, v10  }
0xa9: {  	s31 =	sadd.s32 s25, s30;
	v4 =	vimm.f32 $0.0e+00;
	v3 =	vld.idx.msk [tilespmem:v7+s20+$0x0], $0xffff;
	v7 =	vor.u32 v0, v5  }
0xaa: {  	s29 =	simm.s32 $0x4;
	s30 =	simm.s32 $0x3;
	v9 =	vor.u32 v1, v5;
	v8 =	vld.idx.msk [tilespmem:v8+s20+$0x0], $0xffff;
	v10 =	vmul.f32 v11, v10;
	s31 =	sshll.u32 s31, $0x7;
	v5 =	vadd.f32 v12, v4  }
.LBB2_4:
0xab: {  	s0 =	sshrl.u32 s29, $0x4;
	s2 =	sand.u32 $0xF, s30  }
0xac: {  	s31 =	sor.u32 s28, s31;
	v4 =	vadd.f32 v10, v4;
	s30 =	smov.u32 s29;
	p0 =	sne.s32 s29, $0x3F  }
.Ltmp0:
0xad: {  	s29 =	sadd.s32 $0x1, s29;
	s2 =	sor.u32 s2, s31;
	(pc) =	sbr.rel @p0 .LBB2_4-.Ltmp0, $4  }
0xae: {  	s0 =	smul.u32 $0x5, s0;
	v10 =	vmov v2;
	v2 =	vld.idx.msk [tilespmem:v6+s12+$0x0], $0xffff;
	v6 =	vmov s2  }
0xaf: {  	v12 =	vmul.f32 v3, v10;
	v11 =	vshll.u32 v6, $0x5;
	v3 =	vld.idx.msk [tilespmem:v9+s20+$0x0], $0xffff  }
0xb0: {  	s0 =	sadd.s32 s25, s0;
	v10 =	vmul.f32 v8, v10;
	v9 =	vor.u32 v1, v11;
	v8 =	vld.idx.msk [tilespmem:v7+s20+$0x0], $0xffff;
	v7 =	vor.u32 v0, v11  }
0xb1: {  	s31 =	sshll.u32 s0, $0x7;
	v5 =	vadd.f32 v12, v5  }
0xb2: {  	s0 =	sand.u32 $0xF, s30;
	s2 =	sor.u32 s28, s31  }
0xb3: {  	s0 =	sor.u32 s0, s2  }
0xb4: {  	v11 =	vmov s0  }
0xb5: {  	v12 =	vshll.u32 v11, $0x5  }
0xb6: {  	v13 =	vor.u32 v0, v12  }
0xb7: {  	v6 =	vld.idx.msk [tilespmem:v6+s12+$0x0], $0xffff;
	v12 =	vor.u32 v1, v12  }
0xb8: {  	v9 =	vld.idx.msk [tilespmem:v9+s20+$0x0], $0xffff  }
0xb9: {  	v7 =	vld.idx.msk [tilespmem:v7+s20+$0x0], $0xffff  }
0xba: {  	v11 =	vld.idx.msk [tilespmem:v11+s12+$0x0], $0xffff  }
0xbb: {  	v13 =	vld.idx.msk [tilespmem:v13+s20+$0x0], $0xffff  }
0xbc: {  	v4 =	vadd.f32 v10, v4;
	v8 =	vmul.f32 v8, v2;
	v57 =	vld.idx.msk [tilespmem:v12+s20+$0x0], $0xffff  }
0xbd: {  	s30 =	sshll.u32 s25, $0x8;
	s31 =	sshll.u32 s26, $0x5;
	v2 =	vmul.f32 v3, v2  }
0xbe: {  	s0 =	sor.u32 s31, s30;
	v3 =	vadd.f32 v8, v4;
	v58 =	vmul.f32 v7, v6  }
0xbf: {  	s24 =	sadd.s32 $0x1, s24;
	v60 =	vor.u32 s0, v0;
	s0 =	sor.u32 $0x10, s0;
	v2 =	vadd.f32 v2, v5;
	v59 =	vmul.f32 v9, v6  }
0xc0: {  	p0 =	sne.s32 s24, $0x28;
	v62 =	vor.u32 s0, v0;
	v3 =	vadd.f32 v58, v3;
	v61 =	vmul.f32 v13, v11  }
.Ltmp1:
0xc1: {  	v2 =	vadd.f32 v59, v2;
	v63 =	vmul.f32 v57, v11;
	(pc) =	sbr.rel @p0 .LBB2_3-.Ltmp1, $4  }
0xc2: {  	v3 =	vadd.f32 v61, v3  }
0xc3: {  	v2 =	vadd.f32 v63, v2  }
0xc4: {  	[tilespmem:v60+s18+$0x0] =	vst.idx.msk $0xffff, v3  }
0xc5: {  	[tilespmem:v62+s18+$0x0] =	vst.idx.msk $0xffff, v2  }
0xc6: {  	s0 =	sadd.s32 s9, s22;
	s21 =	sadd.s32 $0x1, s21  }
0xc7: {  	s2 =	rddreg [dreg:$0x1];
	s0 =	sshll.u32 s0, $0x5;
	p0 =	sne.s32 s21, $0x99  }
.Ltmp2:
0xc8: {  	s31 =	simm.s32 $0x0;
	s0 =	sadd.s32 s2, s0;
	(pc) =	sbr.rel @p0 .LBB2_2-.Ltmp2, $4  }
0xc9: {  	[hbm4b:s0+s31] =	stream.linear.scatter [tilespmem:s18], [sflag:$0x2], $0x500, $0x38;
	[tilespmem:$0x15900] =	vst v63  }
0xca: {  	_ =	swait.ge [sflag:s11], $0x500  }
0xcb: {  	[sflag:s11] =	ssyncset.done $0x0  }
0xcc: {  	[sflag:s11] =	ssyncadd.s32 $0xFFFFFB00  }
0xcd: {  	s2 =	rddreg [dreg:$0x4]  }
0xce: {  	s0 =	rddreg [dreg:$0x3];
	s2 =	sadd.s32 $0x1, s2  }
0xcf: {  	p0 =	sne.s32 s2, s0  }
.Ltmp3:
0xd0: {  	_ = 	snop;
	(pc) =	sbr.rel @p0 .LBB2_1-.Ltmp3, $1  }
0xd1: {  	_ =	sdelay $0x3  }
0xd2: {  	_ =	sfence.sel $0x180000  }
0xd3: {  	[bflag:$0x0] =	sbarrier.arrive $0xFFFF  }
0xd4: {  	_ =	strace $0x90000047  }
0xd5: {  	s0 =	stileid.u32;
	[bflag:$0x2] =	sbarrier.arrive $0xFFFF  }
0xd6: {  	p0 =	sne.s32 s0, $0x0;
	s0 =	rddreg [dreg:$0x2]  }
0xd7: {  	s0 =	sadd.s32 @!p0 $0x100000, s0  }
0xd8: {  	[sflag:s0] =	ssyncadd.tile.s32 @!p0 $0x1;
	_ =	shalt  }
.Lfunc_end2:
_tile_overlayer_lowered:
.L_overlay_start_2:
0xd9: {  	(tag) =	ssettag $0x2  }
0xda: {  	s0 =	rddreg [dreg:$0x0];
	s2 =	stileid.u32  }
0xdb: {  	s1 =	rddreg [dreg:$0x1];
	p0 =	sne.s32 s2, $0x0  }
0xdc: {  	s3 =	rddreg [dreg:$0x2];
	[bflag:$0x3] =	sbarrier.arrive $0xFFFF;
	s2 =	simm.s32 @!p0 $0x1C02  }
0xdd: {  	[timem:s3], [sflag:s2] =	dma.local @!p0 [hbm:s0], s1  }
0xde: {  	s0 =	simm.s32 @!p0 $0x2  }
0xdf: {  	_ =	swait.ge @!p0 [sflag:s0], s1  }
0xe0: {  	s1 =	ssub.s32 @!p0 $0x0, s1;
	[sflag:s0] =	ssyncset.done @!p0 $0x0  }
0xe1: {  	[sflag:s0] =	ssyncadd.s32 @!p0 s1  }
0xe2: {  	[bflag:$0x3] =	sbarrier.arrive $0xFFFF  }
0xe3: {  	_ =	shalt  }

</sc_bundles>
